<compile_context>
chip_gen: v7x
topology: tpu7x:2x2x1
jax: 0.10.2.dev20260603
libtpu: 0.0.44.dev20260713+nightly
codegen_flags: <defaults>
</compile_context>

<pallas_src>
import dataclasses
import functools

import jax
import jax.numpy as jnp
from jax import lax
from jax.experimental import pallas as pl
from jax.experimental.pallas import tpu as pltpu
from jax.experimental.pallas import tpu_sc as plsc

NC = 2
NS = 16
NW = NC * NS
B = 80
DEG_W = 128


def _make_agg(N, N_pad, D, E):
    EPT = E // NW
    NB = EPT // B
    mesh = plsc.VectorSubcoreMesh(core_axis_name="c", subcore_axis_name="s")
    RPT = N_pad // NS

    @functools.partial(
        pl.kernel,
        out_type=jax.ShapeDtypeStruct((NC, N_pad, D), jnp.float32),
        mesh=mesh,
        scratch_types=[
            pltpu.VMEM((EPT,), jnp.int32),
            pltpu.VMEM((NB, B), jnp.int32),
            pltpu.VMEM((B, D), jnp.float32),
            pltpu.VMEM((B, D), jnp.float32),
            pltpu.VMEM_SHARED((N_pad, D), jnp.float32),
            pltpu.SemaphoreType.DMA,
            pltpu.SemaphoreType.DMA,
        ],
    )
    def agg(rows_hbm, src_hbm, dst_hbm, zz_hbm, out_hbm,
            src_v, dst_v, buf0, buf1, acc_sh, g0, g1):
        cid = lax.axis_index("c")
        sid = lax.axis_index("s")
        wid = cid * NS + sid
        base = wid * EPT

        pltpu.sync_copy(zz_hbm, acc_sh.at[pl.ds(sid * RPT, RPT)])
        pltpu.sync_copy(src_hbm.at[pl.ds(base, EPT)], src_v)
        pltpu.sync_copy(dst_hbm.at[wid], dst_v)
        plsc.subcore_barrier()

        def gather(g, buf, sem):
            return pltpu.async_copy(
                rows_hbm.at[src_v.at[pl.ds(g * B, B)]], buf, sem)

        def scatter(g, buf):
            pltpu.sync_copy(buf, acc_sh.at[dst_v.at[g]], add=True)

        gather(0, buf0, g0).wait()
        scatter(0, buf0)

        @pl.loop(1, NB, step=2)
        def _(g):
            c0 = gather(g, buf0, g0)
            c1 = gather(g + 1, buf1, g1)
            c0.wait()
            scatter(g, buf0)
            c1.wait()
            scatter(g + 1, buf1)

        plsc.subcore_barrier()

        pltpu.sync_copy(acc_sh.at[pl.ds(sid * RPT, RPT)],
                        out_hbm.at[cid, pl.ds(sid * RPT, RPT)])

    return agg


def _make_deg(N, E):
    EPT = E // NW
    mesh = plsc.VectorSubcoreMesh(core_axis_name="c", subcore_axis_name="s")
    cp = pltpu.CompilerParams()
    if "needs_layout_passes" in pltpu.CompilerParams.__dataclass_fields__:
        cp = dataclasses.replace(cp, needs_layout_passes=False)

    @functools.partial(
        pl.kernel,
        out_type=jax.ShapeDtypeStruct((NW, N), jnp.float32),
        mesh=mesh,
        compiler_params=cp,
        scratch_types=[
            pltpu.VMEM((EPT,), jnp.int32),
            pltpu.VMEM((N,), jnp.float32),
        ],
    )
    def deg(dst_hbm, zz_hbm, out_hbm, dst_v, hist_v):
        cid = lax.axis_index("c")
        sid = lax.axis_index("s")
        wid = cid * NS + sid

        pltpu.sync_copy(zz_hbm, hist_v)
        pltpu.sync_copy(dst_hbm.at[pl.ds(wid * EPT, EPT)], dst_v)
        ones16 = jnp.full((16,), 1.0, jnp.float32)

        @pl.loop(0, EPT // 16)
        def _(i):
            idx = dst_v[pl.ds(i * 16, 16)]
            plsc.addupdate_scatter(hist_v, [idx], ones16)

        pltpu.sync_copy(hist_v, out_hbm.at[wid])

    return deg


def _dis_from(d0, d1):
    deg = d0 + d1
    return jnp.where(deg > 0, lax.rsqrt(jnp.maximum(deg, 1.0)), 0.0)


def _mm(x, W):
    N, D = x.shape

    def body(x_ref, w_ref, h_ref):
        h_ref[...] = jnp.dot(x_ref[...], w_ref[...],
                             preferred_element_type=jnp.float32)

    return pl.pallas_call(
        body,
        out_shape=jax.ShapeDtypeStruct((N, D), jnp.float32),
    )(x, W)


def _scale(h, degsT):
    N, D = h.shape

    def body(h_ref, dT_ref, hs_ref, dis_ref):
        deg = jnp.sum(dT_ref[...], axis=1, keepdims=True)
        dis = jnp.where(deg > 0, lax.rsqrt(jnp.maximum(deg, 1.0)), 0.0)
        hs_ref[...] = h_ref[...] * dis
        dis_ref[...] = dis

    return pl.pallas_call(
        body,
        out_shape=[
            jax.ShapeDtypeStruct((N, D), jnp.float32),
            jax.ShapeDtypeStruct((N, 1), jnp.float32),
        ],
    )(h, degsT)


def _layer2(p0, p1, dis, b1, W2):
    N, D = p0.shape

    def body(p0_ref, p1_ref, dis_ref, b1_ref, w_ref, o_ref):
        dis = dis_ref[...]
        t = jax.nn.relu((p0_ref[...] + p1_ref[...]) * dis + b1_ref[...])
        o_ref[...] = jnp.dot(t, w_ref[...],
                             preferred_element_type=jnp.float32) * dis

    return pl.pallas_call(
        body,
        out_shape=jax.ShapeDtypeStruct((N, D), jnp.float32),
    )(p0, p1, dis, b1, W2)


def _final(q0, q1, dis, b2):
    N, D = q0.shape

    def body(q0_ref, q1_ref, dis_ref, b2_ref, o_ref):
        o_ref[...] = (q0_ref[...] + q1_ref[...]) * dis_ref[...] + b2_ref[...]

    return pl.pallas_call(
        body,
        out_shape=jax.ShapeDtypeStruct((N, D), jnp.float32),
    )(q0, q1, dis, b2)


def kernel(x, edge_index, W1, b1, W2, b2):
    N, D = x.shape
    E = edge_index.shape[1]
    N_pad = ((N + 8 * NS - 1) // (8 * NS)) * (8 * NS)

    EPT = E // NW
    src = edge_index[0]
    dst = edge_index[1]
    dstr = edge_index[1].reshape(NW, EPT // B, B)
    zdeg = jnp.zeros((N,), jnp.float32)
    zz = jnp.zeros((N_pad // NS, D), jnp.float32)

    deg_p = _make_deg(N, E)(dst, zdeg)
    degsT = deg_p.T

    h1 = _mm(x, W1)
    hs1, dis = _scale(h1, degsT)
    p = _make_agg(N, N_pad, D, E)(hs1, src, dstr, zz)
    hs2 = _layer2(p[0, :N], p[1, :N], dis, b1.reshape(1, D), W2)
    q = _make_agg(N, N_pad, D, E)(hs2, src, dstr, zz)
    out = _final(q[0, :N], q[1, :N], dis, b2.reshape(1, D))
    return out

# --- scband reference (transcript-rebuilt; emitter-appended) ---
"""Pipeline reference for scband-base-gnn-47012712022399 (READ-ONLY COPY).

The authoritative reference and input builder live on the scoring server;
editing this copy changes nothing except your own understanding.
"""

import jax, jax.numpy as jnp
import numpy as np

N = 10000
E = 320000
D = 128

def setup_inputs(seed: int = 0) -> dict:
    key = jax.random.key(seed)
    k1, k2, k3, k4 = jax.random.split(key, 4)
    x = jax.random.normal(k1, (N, D), dtype=jnp.float32)
    edge_index = jax.random.randint(k2, (2, E), 0, N, dtype=jnp.int32)
    W1 = jax.random.normal(k3, (D, D), dtype=jnp.float32) * 0.05
    b1 = jnp.zeros((D,), dtype=jnp.float32)
    W2 = jax.random.normal(k4, (D, D), dtype=jnp.float32) * 0.05
    b2 = jnp.zeros((D,), dtype=jnp.float32)
    return {"x": x, "edge_index": edge_index, "W1": W1, "b1": b1, "W2": W2, "b2": b2}

def _gcn_conv(x, edge_index, W, b):
    # GCN-style conv: symmetric degree-normalized scatter-add aggregation + linear.
    src = edge_index[0]
    dst = edge_index[1]
    ones = jnp.ones((edge_index.shape[1],), dtype=x.dtype)
    deg = jax.ops.segment_sum(ones, dst, num_segments=N)
    deg_inv_sqrt = jnp.where(deg > 0, jax.lax.rsqrt(jnp.maximum(deg, 1.0)), 0.0)
    norm = deg_inv_sqrt[src] * deg_inv_sqrt[dst]
    h = x @ W  # linear transform first (smaller-or-equal dim)
    msgs = jnp.take(h, src, axis=0) * norm[:, None]  # gather
    agg = jax.ops.segment_sum(msgs, dst, num_segments=N)  # scatter-add
    return agg + b

def reference(x, edge_index, W1, b1, W2, b2):
    # BaseGNN.forward with num_layers=2, dropout p=0.0 (identity):
    # for conv in convs[:-1]: x = relu(conv(x, adj)); x = dropout(x)
    # x = convs[-1](x, adj)
    h = _gcn_conv(x, edge_index, W1, b1)
    h = jax.nn.relu(h)
    # dropout p=0.0 -> identity
    out = _gcn_conv(h, edge_index, W2, b2)
    # num_layers != 1 -> no trailing relu/dropout
    return out

if __name__ == "__main__":
    import jax
    _d = setup_inputs()
    print(jax.jit(kernel)(*tuple(_d.values())))

</pallas_src>

<mosaic_0001>
#map = affine_map<(d0, d1) -> (0)>
#map1 = affine_map<(d0, d1) -> (0, 0)>
module attributes {stable_mosaic.version = 14 : i64} {
  func.func @deg(%arg0: i32, %arg1: i32, %arg2: memref<320000xi32, #tpu.memory_space<hbm>>, %arg3: memref<10000xf32, #tpu.memory_space<hbm>>, %arg4: memref<32x10000xf32, #tpu.memory_space<hbm>>, %arg5: memref<10000xi32, #tpu.memory_space<vmem>>, %arg6: memref<10000xf32, #tpu.memory_space<vmem>>) attributes {dimension_semantics = [#tpu.dimension_semantics<core_parallel>, #tpu.dimension_semantics<subcore_parallel>], iteration_bounds = array<i64: 2, 16>, scalar_prefetch = 0 : i64, scratch_operands = 2 : i64, tpu.core_type = #tpu.core_type<sc_vector_subcore>, window_params = [{transform_indices = #map}, {transform_indices = #map}, {transform_indices = #map1}]} {
    %mul3A = arith.constant 16 : i32
    %mul3A_0 = arith.muli %arg0, %mul3A : i32
    %add3A = arith.addi %mul3A_0, %arg1 : i32
    "tpu.region"() ({
      %run_scoped3A = tpu.sem_alloc : memref<!tpu.dma_semaphore, #tpu.memory_space<semaphore_mem>>
      tpu.enqueue_dma source(%arg3 : memref<10000xf32, #tpu.memory_space<hbm>>) target(%arg6 : memref<10000xf32, #tpu.memory_space<vmem>>) target_semaphore(%run_scoped3A : memref<!tpu.dma_semaphore, #tpu.memory_space<semaphore_mem>>)
      tpu.wait_dma2 semaphore(%run_scoped3A : memref<!tpu.dma_semaphore, #tpu.memory_space<semaphore_mem>>) src(%arg3 : memref<10000xf32, #tpu.memory_space<hbm>>) dst(%arg6 : memref<10000xf32, #tpu.memory_space<vmem>>)
      tpu.yield
    }) : () -> ()
    %mul3A_1 = arith.constant 10000 : i32
    %mul3A_2 = arith.muli %add3A, %mul3A_1 : i32
    "tpu.region"() ({
      %run_scoped3A = tpu.sem_alloc : memref<!tpu.dma_semaphore, #tpu.memory_space<semaphore_mem>>
      %dma_start3A = tpu.memref_slice %arg2[%mul3A_2] : memref<320000xi32, #tpu.memory_space<hbm>> -> memref<10000xi32, #tpu.memory_space<hbm>>
      %dma_start3A_8 = tpu.memref_slice %arg2[%mul3A_2] : memref<320000xi32, #tpu.memory_space<hbm>> -> memref<10000xi32, #tpu.memory_space<hbm>>
      tpu.enqueue_dma source(%dma_start3A_8 : memref<10000xi32, #tpu.memory_space<hbm>>) target(%arg5 : memref<10000xi32, #tpu.memory_space<vmem>>) target_semaphore(%run_scoped3A : memref<!tpu.dma_semaphore, #tpu.memory_space<semaphore_mem>>)
      %dma_wait3A = tpu.memref_slice %arg2[%mul3A_2] : memref<320000xi32, #tpu.memory_space<hbm>> -> memref<10000xi32, #tpu.memory_space<hbm>>
      %dma_wait3A_9 = tpu.memref_slice %arg2[%mul3A_2] : memref<320000xi32, #tpu.memory_space<hbm>> -> memref<10000xi32, #tpu.memory_space<hbm>>
      tpu.wait_dma2 semaphore(%run_scoped3A : memref<!tpu.dma_semaphore, #tpu.memory_space<semaphore_mem>>) src(%dma_wait3A_9 : memref<10000xi32, #tpu.memory_space<hbm>>) dst(%arg5 : memref<10000xi32, #tpu.memory_space<vmem>>)
      tpu.yield
    }) : () -> ()
    %broadcast_in_dim3A = arith.constant 1.000000e+00 : f32
    %broadcast_in_dim3A_3 = vector.broadcast %broadcast_in_dim3A : f32 to vector<16xf32>
    %scan3A = arith.constant 0 : i32
    %scan3A_4 = arith.constant 625 : i32
    %scan3A_5 = arith.addi %scan3A, %scan3A_4 : i32
    %scan3A_6 = arith.constant 1 : i32
    scf.for %scan3A_8 = %scan3A to %scan3A_5 step %scan3A_6  : i32 {
      %mul3A_9 = arith.constant 1 : i32
      %mul3A_10 = arith.muli %scan3A_8, %mul3A_9 : i32
      %add3A_11 = arith.constant 0 : i32
      %add3A_12 = arith.addi %add3A_11, %mul3A_10 : i32
      %mul3A_13 = arith.constant 16 : i32
      %mul3A_14 = arith.muli %add3A_12, %mul3A_13 : i32
      %get3A = arith.index_cast %mul3A_14 : i32 to index
      %get3A_15 = tpu.vector_load %arg5[%get3A] {strides = array<i32>} : memref<10000xi32, #tpu.memory_space<vmem>>, vector<16xi32>,
      tpu.vector_store_idx %arg6[%get3A_15], %broadcast_in_dim3A_3 {add = true} : memref<10000xf32, #tpu.memory_space<vmem>>[vector<16xi32>], vector<16xf32>,
    }
    %scan3A_7 = arith.constant 625 : i32
    "tpu.region"() ({
      %run_scoped3A = tpu.sem_alloc : memref<!tpu.dma_semaphore, #tpu.memory_space<semaphore_mem>>
      %dma_start3A = arith.constant 0 : i32
      %dma_start3A_8 = tpu.memref_slice %arg4[%add3A, %dma_start3A] : memref<32x10000xf32, #tpu.memory_space<hbm>> -> memref<1x10000xf32, #tpu.memory_space<hbm>>
      %dma_start3A_9 = tpu.memref_squeeze %dma_start3A_8 : memref<1x10000xf32, #tpu.memory_space<hbm>> -> memref<10000xf32, #tpu.memory_space<hbm>>
      %dma_start3A_10 = arith.constant 0 : i32
      %dma_start3A_11 = tpu.memref_slice %arg4[%add3A, %dma_start3A_10] : memref<32x10000xf32, #tpu.memory_space<hbm>> -> memref<1x10000xf32, #tpu.memory_space<hbm>>
      %dma_start3A_12 = tpu.memref_squeeze %dma_start3A_11 : memref<1x10000xf32, #tpu.memory_space<hbm>> -> memref<10000xf32, #tpu.memory_space<hbm>>
      tpu.enqueue_dma source(%arg6 : memref<10000xf32, #tpu.memory_space<vmem>>) target(%dma_start3A_12 : memref<10000xf32, #tpu.memory_space<hbm>>) target_semaphore(%run_scoped3A : memref<!tpu.dma_semaphore, #tpu.memory_space<semaphore_mem>>)
      %dma_wait3A = arith.constant 0 : i32
      %dma_wait3A_13 = tpu.memref_slice %arg4[%add3A, %dma_wait3A] : memref<32x10000xf32, #tpu.memory_space<hbm>> -> memref<1x10000xf32, #tpu.memory_space<hbm>>
      %dma_wait3A_14 = tpu.memref_squeeze %dma_wait3A_13 : memref<1x10000xf32, #tpu.memory_space<hbm>> -> memref<10000xf32, #tpu.memory_space<hbm>>
      %dma_wait3A_15 = arith.constant 0 : i32
      %dma_wait3A_16 = tpu.memref_slice %arg4[%add3A, %dma_wait3A_15] : memref<32x10000xf32, #tpu.memory_space<hbm>> -> memref<1x10000xf32, #tpu.memory_space<hbm>>
      %dma_wait3A_17 = tpu.memref_squeeze %dma_wait3A_16 : memref<1x10000xf32, #tpu.memory_space<hbm>> -> memref<10000xf32, #tpu.memory_space<hbm>>
      tpu.wait_dma2 semaphore(%run_scoped3A : memref<!tpu.dma_semaphore, #tpu.memory_space<semaphore_mem>>) src(%arg6 : memref<10000xf32, #tpu.memory_space<vmem>>) dst(%dma_wait3A_17 : memref<10000xf32, #tpu.memory_space<hbm>>)
      tpu.yield
    }) : () -> ()
    return
  }
}

#map = affine_map<(d0, d1) -> (0, 0)>
#map1 = affine_map<(d0, d1) -> (0)>
#map2 = affine_map<(d0, d1) -> (0, 0, 0)>
module attributes {stable_mosaic.version = 14 : i64} {
  func.func @agg(%arg0: i32, %arg1: i32, %arg2: memref<10000x128xf32, #tpu.memory_space<hbm>>, %arg3: memref<320000xi32, #tpu.memory_space<hbm>>, %arg4: memref<32x125x80xi32, #tpu.memory_space<hbm>>, %arg5: memref<632x128xf32, #tpu.memory_space<hbm>>, %arg6: memref<2x10112x128xf32, #tpu.memory_space<hbm>>, %arg7: memref<10000xi32, #tpu.memory_space<vmem>>, %arg8: memref<125x80xi32, #tpu.memory_space<vmem>>, %arg9: memref<80x128xf32, #tpu.memory_space<vmem>>, %arg10: memref<80x128xf32, #tpu.memory_space<vmem>>, %arg11: memref<10112x128xf32, #tpu.memory_space<vmem_shared>>, %arg12: memref<!tpu.dma_semaphore, #tpu.memory_space<semaphore_mem>>, %arg13: memref<!tpu.dma_semaphore, #tpu.memory_space<semaphore_mem>>) attributes {dimension_semantics = [#tpu.dimension_semantics<core_parallel>, #tpu.dimension_semantics<subcore_parallel>], iteration_bounds = array<i64: 2, 16>, scalar_prefetch = 0 : i64, scratch_operands = 7 : i64, tpu.core_type = #tpu.core_type<sc_vector_subcore>, window_params = [{transform_indices = #map}, {transform_indices = #map1}, {transform_indices = #map2}, {transform_indices = #map}, {transform_indices = #map2}]} {
    %mul3A = arith.constant 16 : i32
    %mul3A_0 = arith.muli %arg0, %mul3A : i32
    %add3A = arith.addi %mul3A_0, %arg1 : i32
    %mul3A_1 = arith.constant 10000 : i32
    %mul3A_2 = arith.muli %add3A, %mul3A_1 : i32
    %mul3A_3 = arith.constant 632 : i32
    %mul3A_4 = arith.muli %arg1, %mul3A_3 : i32
    "tpu.region"() ({
      %run_scoped3A_22 = tpu.sem_alloc : memref<!tpu.dma_semaphore, #tpu.memory_space<semaphore_mem>>
      %dma_start3A_23 = arith.constant 0 : i32
      %dma_start3A_24 = tpu.memref_slice %arg11[%mul3A_4, %dma_start3A_23] : memref<10112x128xf32, #tpu.memory_space<vmem_shared>> -> memref<632x128xf32, #tpu.memory_space<vmem_shared>>
      tpu.enqueue_dma source(%arg5 : memref<632x128xf32, #tpu.memory_space<hbm>>) target(%dma_start3A_24 : memref<632x128xf32, #tpu.memory_space<vmem_shared>>) target_semaphore(%run_scoped3A_22 : memref<!tpu.dma_semaphore, #tpu.memory_space<semaphore_mem>>)
      %dma_wait3A_25 = arith.constant 0 : i32
      %dma_wait3A_26 = tpu.memref_slice %arg11[%mul3A_4, %dma_wait3A_25] : memref<10112x128xf32, #tpu.memory_space<vmem_shared>> -> memref<632x128xf32, #tpu.memory_space<vmem_shared>>
      tpu.wait_dma2 semaphore(%run_scoped3A_22 : memref<!tpu.dma_semaphore, #tpu.memory_space<semaphore_mem>>) src(%arg5 : memref<632x128xf32, #tpu.memory_space<hbm>>) dst(%dma_wait3A_26 : memref<632x128xf32, #tpu.memory_space<vmem_shared>>)
      tpu.yield
    }) : () -> ()
    "tpu.region"() ({
      %run_scoped3A_22 = tpu.sem_alloc : memref<!tpu.dma_semaphore, #tpu.memory_space<semaphore_mem>>
      %dma_start3A_23 = tpu.memref_slice %arg3[%mul3A_2] : memref<320000xi32, #tpu.memory_space<hbm>> -> memref<10000xi32, #tpu.memory_space<hbm>>
      %dma_start3A_24 = tpu.memref_slice %arg3[%mul3A_2] : memref<320000xi32, #tpu.memory_space<hbm>> -> memref<10000xi32, #tpu.memory_space<hbm>>
      tpu.enqueue_dma source(%dma_start3A_24 : memref<10000xi32, #tpu.memory_space<hbm>>) target(%arg7 : memref<10000xi32, #tpu.memory_space<vmem>>) target_semaphore(%run_scoped3A_22 : memref<!tpu.dma_semaphore, #tpu.memory_space<semaphore_mem>>)
      %dma_wait3A_25 = tpu.memref_slice %arg3[%mul3A_2] : memref<320000xi32, #tpu.memory_space<hbm>> -> memref<10000xi32, #tpu.memory_space<hbm>>
      %dma_wait3A_26 = tpu.memref_slice %arg3[%mul3A_2] : memref<320000xi32, #tpu.memory_space<hbm>> -> memref<10000xi32, #tpu.memory_space<hbm>>
      tpu.wait_dma2 semaphore(%run_scoped3A_22 : memref<!tpu.dma_semaphore, #tpu.memory_space<semaphore_mem>>) src(%dma_wait3A_26 : memref<10000xi32, #tpu.memory_space<hbm>>) dst(%arg7 : memref<10000xi32, #tpu.memory_space<vmem>>)
      tpu.yield
    }) : () -> ()
    "tpu.region"() ({
      %run_scoped3A_22 = tpu.sem_alloc : memref<!tpu.dma_semaphore, #tpu.memory_space<semaphore_mem>>
      %dma_start3A_23 = arith.constant 0 : i32
      %dma_start3A_24 = arith.constant 0 : i32
      %dma_start3A_25 = tpu.memref_slice %arg4[%add3A, %dma_start3A_23, %dma_start3A_24] : memref<32x125x80xi32, #tpu.memory_space<hbm>> -> memref<1x125x80xi32, #tpu.memory_space<hbm>>
      %dma_start3A_26 = tpu.memref_squeeze %dma_start3A_25 : memref<1x125x80xi32, #tpu.memory_space<hbm>> -> memref<125x80xi32, #tpu.memory_space<hbm>>
      %dma_start3A_27 = arith.constant 0 : i32
      %dma_start3A_28 = arith.constant 0 : i32
      %dma_start3A_29 = tpu.memref_slice %arg4[%add3A, %dma_start3A_27, %dma_start3A_28] : memref<32x125x80xi32, #tpu.memory_space<hbm>> -> memref<1x125x80xi32, #tpu.memory_space<hbm>>
      %dma_start3A_30 = tpu.memref_squeeze %dma_start3A_29 : memref<1x125x80xi32, #tpu.memory_space<hbm>> -> memref<125x80xi32, #tpu.memory_space<hbm>>
      tpu.enqueue_dma source(%dma_start3A_30 : memref<125x80xi32, #tpu.memory_space<hbm>>) target(%arg8 : memref<125x80xi32, #tpu.memory_space<vmem>>) target_semaphore(%run_scoped3A_22 : memref<!tpu.dma_semaphore, #tpu.memory_space<semaphore_mem>>)
      %dma_wait3A_31 = arith.constant 0 : i32
      %dma_wait3A_32 = arith.constant 0 : i32
      %dma_wait3A_33 = tpu.memref_slice %arg4[%add3A, %dma_wait3A_31, %dma_wait3A_32] : memref<32x125x80xi32, #tpu.memory_space<hbm>> -> memref<1x125x80xi32, #tpu.memory_space<hbm>>
      %dma_wait3A_34 = tpu.memref_squeeze %dma_wait3A_33 : memref<1x125x80xi32, #tpu.memory_space<hbm>> -> memref<125x80xi32, #tpu.memory_space<hbm>>
      %dma_wait3A_35 = arith.constant 0 : i32
      %dma_wait3A_36 = arith.constant 0 : i32
      %dma_wait3A_37 = tpu.memref_slice %arg4[%add3A, %dma_wait3A_35, %dma_wait3A_36] : memref<32x125x80xi32, #tpu.memory_space<hbm>> -> memref<1x125x80xi32, #tpu.memory_space<hbm>>
      %dma_wait3A_38 = tpu.memref_squeeze %dma_wait3A_37 : memref<1x125x80xi32, #tpu.memory_space<hbm>> -> memref<125x80xi32, #tpu.memory_space<hbm>>
      tpu.wait_dma2 semaphore(%run_scoped3A_22 : memref<!tpu.dma_semaphore, #tpu.memory_space<semaphore_mem>>) src(%dma_wait3A_38 : memref<125x80xi32, #tpu.memory_space<hbm>>) dst(%arg8 : memref<125x80xi32, #tpu.memory_space<vmem>>)
      tpu.yield
    }) : () -> ()
    %barrier3A = arith.constant 0 : index
    tpu.barrier barrier_id(%barrier3A)
    %dma_start3A = arith.constant 0 : i32
    %dma_start3A_5 = tpu.memref_slice %arg7[%dma_start3A] : memref<10000xi32, #tpu.memory_space<vmem>> -> memref<80xi32, #tpu.memory_space<vmem>>
    %dma_start3A_6 = arith.constant 0 : i32
    %dma_start3A_7 = arith.constant 0 : i32
    %dma_start3A_8 = tpu.memref_slice %arg2[%dma_start3A_6, %dma_start3A_7] : memref<10000x128xf32, #tpu.memory_space<hbm>> -> memref<10000x128xf32, #tpu.memory_space<hbm>>
    tpu.enqueue_indirect_dma source(%dma_start3A_8 : memref<10000x128xf32, #tpu.memory_space<hbm>>) target(%arg9 : memref<80x128xf32, #tpu.memory_space<vmem>>) offsets(%dma_start3A_5 : memref<80xi32, #tpu.memory_space<vmem>>) semaphore(%arg12 : memref<!tpu.dma_semaphore, #tpu.memory_space<semaphore_mem>>)
    %dma_wait3A = arith.constant 0 : i32
    %dma_wait3A_9 = tpu.memref_slice %arg7[%dma_wait3A] : memref<10000xi32, #tpu.memory_space<vmem>> -> memref<80xi32, #tpu.memory_space<vmem>>
    %dma_wait3A_10 = arith.constant 0 : i32
    %dma_wait3A_11 = arith.constant 0 : i32
    %dma_wait3A_12 = tpu.memref_slice %arg2[%dma_wait3A_10, %dma_wait3A_11] : memref<10000x128xf32, #tpu.memory_space<hbm>> -> memref<10000x128xf32, #tpu.memory_space<hbm>>
    tpu.wait_indirect_dma semaphore(%arg12 : memref<!tpu.dma_semaphore, #tpu.memory_space<semaphore_mem>>) src(%dma_wait3A_12 : memref<10000x128xf32, #tpu.memory_space<hbm>>) dst(%arg9 : memref<80x128xf32, #tpu.memory_space<vmem>>)
    %run_scoped3A = arith.constant 0 : i32
    "tpu.region"() ({
      %run_scoped3A_22 = tpu.sem_alloc : memref<!tpu.dma_semaphore, #tpu.memory_space<semaphore_mem>>
      %dma_start3A_23 = arith.constant 0 : i32
      %dma_start3A_24 = tpu.memref_slice %arg8[%run_scoped3A, %dma_start3A_23] : memref<125x80xi32, #tpu.memory_space<vmem>> -> memref<1x80xi32, #tpu.memory_space<vmem>>
      %dma_start3A_25 = tpu.memref_squeeze %dma_start3A_24 : memref<1x80xi32, #tpu.memory_space<vmem>> -> memref<80xi32, #tpu.memory_space<vmem>>
      %dma_start3A_26 = arith.constant 0 : i32
      %dma_start3A_27 = arith.constant 0 : i32
      %dma_start3A_28 = tpu.memref_slice %arg11[%dma_start3A_26, %dma_start3A_27] : memref<10112x128xf32, #tpu.memory_space<vmem_shared>> -> memref<10112x128xf32, #tpu.memory_space<vmem_shared>>
      tpu.enqueue_indirect_dma source(%arg9 : memref<80x128xf32, #tpu.memory_space<vmem>>) target(%dma_start3A_28 : memref<10112x128xf32, #tpu.memory_space<vmem_shared>>) offsets(%dma_start3A_25 : memref<80xi32, #tpu.memory_space<vmem>>) semaphore(%run_scoped3A_22 : memref<!tpu.dma_semaphore, #tpu.memory_space<semaphore_mem>>) {add = true}
      %dma_wait3A_29 = arith.constant 0 : i32
      %dma_wait3A_30 = tpu.memref_slice %arg8[%run_scoped3A, %dma_wait3A_29] : memref<125x80xi32, #tpu.memory_space<vmem>> -> memref<1x80xi32, #tpu.memory_space<vmem>>
      %dma_wait3A_31 = tpu.memref_squeeze %dma_wait3A_30 : memref<1x80xi32, #tpu.memory_space<vmem>> -> memref<80xi32, #tpu.memory_space<vmem>>
      %dma_wait3A_32 = arith.constant 0 : i32
      %dma_wait3A_33 = arith.constant 0 : i32
      %dma_wait3A_34 = tpu.memref_slice %arg11[%dma_wait3A_32, %dma_wait3A_33] : memref<10112x128xf32, #tpu.memory_space<vmem_shared>> -> memref<10112x128xf32, #tpu.memory_space<vmem_shared>>
      tpu.wait_indirect_dma semaphore(%run_scoped3A_22 : memref<!tpu.dma_semaphore, #tpu.memory_space<semaphore_mem>>) src(%arg9 : memref<80x128xf32, #tpu.memory_space<vmem>>) dst(%dma_wait3A_34 : memref<10112x128xf32, #tpu.memory_space<vmem_shared>>)
      tpu.yield
    }) : () -> ()
    %scan3A = arith.constant 0 : i32
    %scan3A_13 = arith.constant 62 : i32
    %scan3A_14 = arith.addi %scan3A, %scan3A_13 : i32
    %scan3A_15 = arith.constant 1 : i32
    scf.for %scan3A_22 = %scan3A to %scan3A_14 step %scan3A_15  : i32 {
      %mul3A_23 = arith.constant 2 : i32
      %mul3A_24 = arith.muli %scan3A_22, %mul3A_23 : i32
      %add3A_25 = arith.constant 1 : i32
      %add3A_26 = arith.addi %add3A_25, %mul3A_24 : i32
      %mul3A_27 = arith.constant 80 : i32
      %mul3A_28 = arith.muli %add3A_26, %mul3A_27 : i32
      %dma_start3A_29 = tpu.memref_slice %arg7[%mul3A_28] : memref<10000xi32, #tpu.memory_space<vmem>> -> memref<80xi32, #tpu.memory_space<vmem>>
      %dma_start3A_30 = arith.constant 0 : i32
      %dma_start3A_31 = arith.constant 0 : i32
      %dma_start3A_32 = tpu.memref_slice %arg2[%dma_start3A_30, %dma_start3A_31] : memref<10000x128xf32, #tpu.memory_space<hbm>> -> memref<10000x128xf32, #tpu.memory_space<hbm>>
      tpu.enqueue_indirect_dma source(%dma_start3A_32 : memref<10000x128xf32, #tpu.memory_space<hbm>>) target(%arg9 : memref<80x128xf32, #tpu.memory_space<vmem>>) offsets(%dma_start3A_29 : memref<80xi32, #tpu.memory_space<vmem>>) semaphore(%arg12 : memref<!tpu.dma_semaphore, #tpu.memory_space<semaphore_mem>>)
      %add3A_33 = arith.constant 1 : i32
      %add3A_34 = arith.addi %add3A_26, %add3A_33 : i32
      %mul3A_35 = arith.constant 80 : i32
      %mul3A_36 = arith.muli %add3A_34, %mul3A_35 : i32
      %dma_start3A_37 = tpu.memref_slice %arg7[%mul3A_36] : memref<10000xi32, #tpu.memory_space<vmem>> -> memref<80xi32, #tpu.memory_space<vmem>>
      %dma_start3A_38 = arith.constant 0 : i32
      %dma_start3A_39 = arith.constant 0 : i32
      %dma_start3A_40 = tpu.memref_slice %arg2[%dma_start3A_38, %dma_start3A_39] : memref<10000x128xf32, #tpu.memory_space<hbm>> -> memref<10000x128xf32, #tpu.memory_space<hbm>>
      tpu.enqueue_indirect_dma source(%dma_start3A_40 : memref<10000x128xf32, #tpu.memory_space<hbm>>) target(%arg10 : memref<80x128xf32, #tpu.memory_space<vmem>>) offsets(%dma_start3A_37 : memref<80xi32, #tpu.memory_space<vmem>>) semaphore(%arg13 : memref<!tpu.dma_semaphore, #tpu.memory_space<semaphore_mem>>)
      %dma_wait3A_41 = tpu.memref_slice %arg7[%mul3A_28] : memref<10000xi32, #tpu.memory_space<vmem>> -> memref<80xi32, #tpu.memory_space<vmem>>
      %dma_wait3A_42 = arith.constant 0 : i32
      %dma_wait3A_43 = arith.constant 0 : i32
      %dma_wait3A_44 = tpu.memref_slice %arg2[%dma_wait3A_42, %dma_wait3A_43] : memref<10000x128xf32, #tpu.memory_space<hbm>> -> memref<10000x128xf32, #tpu.memory_space<hbm>>
      tpu.wait_indirect_dma semaphore(%arg12 : memref<!tpu.dma_semaphore, #tpu.memory_space<semaphore_mem>>) src(%dma_wait3A_44 : memref<10000x128xf32, #tpu.memory_space<hbm>>) dst(%arg9 : memref<80x128xf32, #tpu.memory_space<vmem>>)
      "tpu.region"() ({
        %run_scoped3A_51 = tpu.sem_alloc : memref<!tpu.dma_semaphore, #tpu.memory_space<semaphore_mem>>
        %dma_start3A_52 = arith.constant 0 : i32
        %dma_start3A_53 = tpu.memref_slice %arg8[%add3A_26, %dma_start3A_52] : memref<125x80xi32, #tpu.memory_space<vmem>> -> memref<1x80xi32, #tpu.memory_space<vmem>>
        %dma_start3A_54 = tpu.memref_squeeze %dma_start3A_53 : memref<1x80xi32, #tpu.memory_space<vmem>> -> memref<80xi32, #tpu.memory_space<vmem>>
        %dma_start3A_55 = arith.constant 0 : i32
        %dma_start3A_56 = arith.constant 0 : i32
        %dma_start3A_57 = tpu.memref_slice %arg11[%dma_start3A_55, %dma_start3A_56] : memref<10112x128xf32, #tpu.memory_space<vmem_shared>> -> memref<10112x128xf32, #tpu.memory_space<vmem_shared>>
        tpu.enqueue_indirect_dma source(%arg9 : memref<80x128xf32, #tpu.memory_space<vmem>>) target(%dma_start3A_57 : memref<10112x128xf32, #tpu.memory_space<vmem_shared>>) offsets(%dma_start3A_54 : memref<80xi32, #tpu.memory_space<vmem>>) semaphore(%run_scoped3A_51 : memref<!tpu.dma_semaphore, #tpu.memory_space<semaphore_mem>>) {add = true}
        %dma_wait3A_58 = arith.constant 0 : i32
        %dma_wait3A_59 = tpu.memref_slice %arg8[%add3A_26, %dma_wait3A_58] : memref<125x80xi32, #tpu.memory_space<vmem>> -> memref<1x80xi32, #tpu.memory_space<vmem>>
        %dma_wait3A_60 = tpu.memref_squeeze %dma_wait3A_59 : memref<1x80xi32, #tpu.memory_space<vmem>> -> memref<80xi32, #tpu.memory_space<vmem>>
        %dma_wait3A_61 = arith.constant 0 : i32
        %dma_wait3A_62 = arith.constant 0 : i32
        %dma_wait3A_63 = tpu.memref_slice %arg11[%dma_wait3A_61, %dma_wait3A_62] : memref<10112x128xf32, #tpu.memory_space<vmem_shared>> -> memref<10112x128xf32, #tpu.memory_space<vmem_shared>>
        tpu.wait_indirect_dma semaphore(%run_scoped3A_51 : memref<!tpu.dma_semaphore, #tpu.memory_space<semaphore_mem>>) src(%arg9 : memref<80x128xf32, #tpu.memory_space<vmem>>) dst(%dma_wait3A_63 : memref<10112x128xf32, #tpu.memory_space<vmem_shared>>)
        tpu.yield
      }) : () -> ()
      %dma_wait3A_45 = tpu.memref_slice %arg7[%mul3A_36] : memref<10000xi32, #tpu.memory_space<vmem>> -> memref<80xi32, #tpu.memory_space<vmem>>
      %dma_wait3A_46 = arith.constant 0 : i32
      %dma_wait3A_47 = arith.constant 0 : i32
      %dma_wait3A_48 = tpu.memref_slice %arg2[%dma_wait3A_46, %dma_wait3A_47] : memref<10000x128xf32, #tpu.memory_space<hbm>> -> memref<10000x128xf32, #tpu.memory_space<hbm>>
      tpu.wait_indirect_dma semaphore(%arg13 : memref<!tpu.dma_semaphore, #tpu.memory_space<semaphore_mem>>) src(%dma_wait3A_48 : memref<10000x128xf32, #tpu.memory_space<hbm>>) dst(%arg10 : memref<80x128xf32, #tpu.memory_space<vmem>>)
      %add3A_49 = arith.constant 1 : i32
      %add3A_50 = arith.addi %add3A_26, %add3A_49 : i32
      "tpu.region"() ({
        %run_scoped3A_51 = tpu.sem_alloc : memref<!tpu.dma_semaphore, #tpu.memory_space<semaphore_mem>>
        %dma_start3A_52 = arith.constant 0 : i32
        %dma_start3A_53 = tpu.memref_slice %arg8[%add3A_50, %dma_start3A_52] : memref<125x80xi32, #tpu.memory_space<vmem>> -> memref<1x80xi32, #tpu.memory_space<vmem>>
        %dma_start3A_54 = tpu.memref_squeeze %dma_start3A_53 : memref<1x80xi32, #tpu.memory_space<vmem>> -> memref<80xi32, #tpu.memory_space<vmem>>
        %dma_start3A_55 = arith.constant 0 : i32
        %dma_start3A_56 = arith.constant 0 : i32
        %dma_start3A_57 = tpu.memref_slice %arg11[%dma_start3A_55, %dma_start3A_56] : memref<10112x128xf32, #tpu.memory_space<vmem_shared>> -> memref<10112x128xf32, #tpu.memory_space<vmem_shared>>
        tpu.enqueue_indirect_dma source(%arg10 : memref<80x128xf32, #tpu.memory_space<vmem>>) target(%dma_start3A_57 : memref<10112x128xf32, #tpu.memory_space<vmem_shared>>) offsets(%dma_start3A_54 : memref<80xi32, #tpu.memory_space<vmem>>) semaphore(%run_scoped3A_51 : memref<!tpu.dma_semaphore, #tpu.memory_space<semaphore_mem>>) {add = true}
        %dma_wait3A_58 = arith.constant 0 : i32
        %dma_wait3A_59 = tpu.memref_slice %arg8[%add3A_50, %dma_wait3A_58] : memref<125x80xi32, #tpu.memory_space<vmem>> -> memref<1x80xi32, #tpu.memory_space<vmem>>
        %dma_wait3A_60 = tpu.memref_squeeze %dma_wait3A_59 : memref<1x80xi32, #tpu.memory_space<vmem>> -> memref<80xi32, #tpu.memory_space<vmem>>
        %dma_wait3A_61 = arith.constant 0 : i32
        %dma_wait3A_62 = arith.constant 0 : i32
        %dma_wait3A_63 = tpu.memref_slice %arg11[%dma_wait3A_61, %dma_wait3A_62] : memref<10112x128xf32, #tpu.memory_space<vmem_shared>> -> memref<10112x128xf32, #tpu.memory_space<vmem_shared>>
        tpu.wait_indirect_dma semaphore(%run_scoped3A_51 : memref<!tpu.dma_semaphore, #tpu.memory_space<semaphore_mem>>) src(%arg10 : memref<80x128xf32, #tpu.memory_space<vmem>>) dst(%dma_wait3A_63 : memref<10112x128xf32, #tpu.memory_space<vmem_shared>>)
        tpu.yield
      }) : () -> ()
    }
    %scan3A_16 = arith.constant 62 : i32
    %barrier3A_17 = arith.constant 0 : index
    tpu.barrier barrier_id(%barrier3A_17)
    %mul3A_18 = arith.constant 632 : i32
    %mul3A_19 = arith.muli %arg1, %mul3A_18 : i32
    %mul3A_20 = arith.constant 632 : i32
    %mul3A_21 = arith.muli %arg1, %mul3A_20 : i32
    "tpu.region"() ({
      %run_scoped3A_22 = tpu.sem_alloc : memref<!tpu.dma_semaphore, #tpu.memory_space<semaphore_mem>>
      %dma_start3A_23 = arith.constant 0 : i32
      %dma_start3A_24 = tpu.memref_slice %arg6[%arg0, %mul3A_21, %dma_start3A_23] : memref<2x10112x128xf32, #tpu.memory_space<hbm>> -> memref<1x632x128xf32, #tpu.memory_space<hbm>>
      %dma_start3A_25 = tpu.memref_squeeze %dma_start3A_24 : memref<1x632x128xf32, #tpu.memory_space<hbm>> -> memref<632x128xf32, #tpu.memory_space<hbm>>
      %dma_start3A_26 = arith.constant 0 : i32
      %dma_start3A_27 = tpu.memref_slice %arg11[%mul3A_19, %dma_start3A_26] : memref<10112x128xf32, #tpu.memory_space<vmem_shared>> -> memref<632x128xf32, #tpu.memory_space<vmem_shared>>
      tpu.enqueue_dma source(%dma_start3A_27 : memref<632x128xf32, #tpu.memory_space<vmem_shared>>) target(%dma_start3A_25 : memref<632x128xf32, #tpu.memory_space<hbm>>) target_semaphore(%run_scoped3A_22 : memref<!tpu.dma_semaphore, #tpu.memory_space<semaphore_mem>>)
      %dma_wait3A_28 = arith.constant 0 : i32
      %dma_wait3A_29 = tpu.memref_slice %arg6[%arg0, %mul3A_21, %dma_wait3A_28] : memref<2x10112x128xf32, #tpu.memory_space<hbm>> -> memref<1x632x128xf32, #tpu.memory_space<hbm>>
      %dma_wait3A_30 = tpu.memref_squeeze %dma_wait3A_29 : memref<1x632x128xf32, #tpu.memory_space<hbm>> -> memref<632x128xf32, #tpu.memory_space<hbm>>
      %dma_wait3A_31 = arith.constant 0 : i32
      %dma_wait3A_32 = tpu.memref_slice %arg11[%mul3A_19, %dma_wait3A_31] : memref<10112x128xf32, #tpu.memory_space<vmem_shared>> -> memref<632x128xf32, #tpu.memory_space<vmem_shared>>
      tpu.wait_dma2 semaphore(%run_scoped3A_22 : memref<!tpu.dma_semaphore, #tpu.memory_space<semaphore_mem>>) src(%dma_wait3A_32 : memref<632x128xf32, #tpu.memory_space<vmem_shared>>) dst(%dma_wait3A_30 : memref<632x128xf32, #tpu.memory_space<hbm>>)
      tpu.yield
    }) : () -> ()
    return
  }
}

#map = affine_map<(d0, d1) -> (0, 0)>
#map1 = affine_map<(d0, d1) -> (0)>
#map2 = affine_map<(d0, d1) -> (0, 0, 0)>
module attributes {stable_mosaic.version = 14 : i64} {
  func.func @agg(%arg0: i32, %arg1: i32, %arg2: memref<10000x128xf32, #tpu.memory_space<hbm>>, %arg3: memref<320000xi32, #tpu.memory_space<hbm>>, %arg4: memref<32x125x80xi32, #tpu.memory_space<hbm>>, %arg5: memref<632x128xf32, #tpu.memory_space<hbm>>, %arg6: memref<2x10112x128xf32, #tpu.memory_space<hbm>>, %arg7: memref<10000xi32, #tpu.memory_space<vmem>>, %arg8: memref<125x80xi32, #tpu.memory_space<vmem>>, %arg9: memref<80x128xf32, #tpu.memory_space<vmem>>, %arg10: memref<80x128xf32, #tpu.memory_space<vmem>>, %arg11: memref<10112x128xf32, #tpu.memory_space<vmem_shared>>, %arg12: memref<!tpu.dma_semaphore, #tpu.memory_space<semaphore_mem>>, %arg13: memref<!tpu.dma_semaphore, #tpu.memory_space<semaphore_mem>>) attributes {dimension_semantics = [#tpu.dimension_semantics<core_parallel>, #tpu.dimension_semantics<subcore_parallel>], iteration_bounds = array<i64: 2, 16>, scalar_prefetch = 0 : i64, scratch_operands = 7 : i64, tpu.core_type = #tpu.core_type<sc_vector_subcore>, window_params = [{transform_indices = #map}, {transform_indices = #map1}, {transform_indices = #map2}, {transform_indices = #map}, {transform_indices = #map2}]} {
    %mul3A = arith.constant 16 : i32
    %mul3A_0 = arith.muli %arg0, %mul3A : i32
    %add3A = arith.addi %mul3A_0, %arg1 : i32
    %mul3A_1 = arith.constant 10000 : i32
    %mul3A_2 = arith.muli %add3A, %mul3A_1 : i32
    %mul3A_3 = arith.constant 632 : i32
    %mul3A_4 = arith.muli %arg1, %mul3A_3 : i32
    "tpu.region"() ({
      %run_scoped3A_22 = tpu.sem_alloc : memref<!tpu.dma_semaphore, #tpu.memory_space<semaphore_mem>>
      %dma_start3A_23 = arith.constant 0 : i32
      %dma_start3A_24 = tpu.memref_slice %arg11[%mul3A_4, %dma_start3A_23] : memref<10112x128xf32, #tpu.memory_space<vmem_shared>> -> memref<632x128xf32, #tpu.memory_space<vmem_shared>>
      tpu.enqueue_dma source(%arg5 : memref<632x128xf32, #tpu.memory_space<hbm>>) target(%dma_start3A_24 : memref<632x128xf32, #tpu.memory_space<vmem_shared>>) target_semaphore(%run_scoped3A_22 : memref<!tpu.dma_semaphore, #tpu.memory_space<semaphore_mem>>)
      %dma_wait3A_25 = arith.constant 0 : i32
      %dma_wait3A_26 = tpu.memref_slice %arg11[%mul3A_4, %dma_wait3A_25] : memref<10112x128xf32, #tpu.memory_space<vmem_shared>> -> memref<632x128xf32, #tpu.memory_space<vmem_shared>>
      tpu.wait_dma2 semaphore(%run_scoped3A_22 : memref<!tpu.dma_semaphore, #tpu.memory_space<semaphore_mem>>) src(%arg5 : memref<632x128xf32, #tpu.memory_space<hbm>>) dst(%dma_wait3A_26 : memref<632x128xf32, #tpu.memory_space<vmem_shared>>)
      tpu.yield
    }) : () -> ()
    "tpu.region"() ({
      %run_scoped3A_22 = tpu.sem_alloc : memref<!tpu.dma_semaphore, #tpu.memory_space<semaphore_mem>>
      %dma_start3A_23 = tpu.memref_slice %arg3[%mul3A_2] : memref<320000xi32, #tpu.memory_space<hbm>> -> memref<10000xi32, #tpu.memory_space<hbm>>
      %dma_start3A_24 = tpu.memref_slice %arg3[%mul3A_2] : memref<320000xi32, #tpu.memory_space<hbm>> -> memref<10000xi32, #tpu.memory_space<hbm>>
      tpu.enqueue_dma source(%dma_start3A_24 : memref<10000xi32, #tpu.memory_space<hbm>>) target(%arg7 : memref<10000xi32, #tpu.memory_space<vmem>>) target_semaphore(%run_scoped3A_22 : memref<!tpu.dma_semaphore, #tpu.memory_space<semaphore_mem>>)
      %dma_wait3A_25 = tpu.memref_slice %arg3[%mul3A_2] : memref<320000xi32, #tpu.memory_space<hbm>> -> memref<10000xi32, #tpu.memory_space<hbm>>
      %dma_wait3A_26 = tpu.memref_slice %arg3[%mul3A_2] : memref<320000xi32, #tpu.memory_space<hbm>> -> memref<10000xi32, #tpu.memory_space<hbm>>
      tpu.wait_dma2 semaphore(%run_scoped3A_22 : memref<!tpu.dma_semaphore, #tpu.memory_space<semaphore_mem>>) src(%dma_wait3A_26 : memref<10000xi32, #tpu.memory_space<hbm>>) dst(%arg7 : memref<10000xi32, #tpu.memory_space<vmem>>)
      tpu.yield
    }) : () -> ()
    "tpu.region"() ({
      %run_scoped3A_22 = tpu.sem_alloc : memref<!tpu.dma_semaphore, #tpu.memory_space<semaphore_mem>>
      %dma_start3A_23 = arith.constant 0 : i32
      %dma_start3A_24 = arith.constant 0 : i32
      %dma_start3A_25 = tpu.memref_slice %arg4[%add3A, %dma_start3A_23, %dma_start3A_24] : memref<32x125x80xi32, #tpu.memory_space<hbm>> -> memref<1x125x80xi32, #tpu.memory_space<hbm>>
      %dma_start3A_26 = tpu.memref_squeeze %dma_start3A_25 : memref<1x125x80xi32, #tpu.memory_space<hbm>> -> memref<125x80xi32, #tpu.memory_space<hbm>>
      %dma_start3A_27 = arith.constant 0 : i32
      %dma_start3A_28 = arith.constant 0 : i32
      %dma_start3A_29 = tpu.memref_slice %arg4[%add3A, %dma_start3A_27, %dma_start3A_28] : memref<32x125x80xi32, #tpu.memory_space<hbm>> -> memref<1x125x80xi32, #tpu.memory_space<hbm>>
      %dma_start3A_30 = tpu.memref_squeeze %dma_start3A_29 : memref<1x125x80xi32, #tpu.memory_space<hbm>> -> memref<125x80xi32, #tpu.memory_space<hbm>>
      tpu.enqueue_dma source(%dma_start3A_30 : memref<125x80xi32, #tpu.memory_space<hbm>>) target(%arg8 : memref<125x80xi32, #tpu.memory_space<vmem>>) target_semaphore(%run_scoped3A_22 : memref<!tpu.dma_semaphore, #tpu.memory_space<semaphore_mem>>)
      %dma_wait3A_31 = arith.constant 0 : i32
      %dma_wait3A_32 = arith.constant 0 : i32
      %dma_wait3A_33 = tpu.memref_slice %arg4[%add3A, %dma_wait3A_31, %dma_wait3A_32] : memref<32x125x80xi32, #tpu.memory_space<hbm>> -> memref<1x125x80xi32, #tpu.memory_space<hbm>>
      %dma_wait3A_34 = tpu.memref_squeeze %dma_wait3A_33 : memref<1x125x80xi32, #tpu.memory_space<hbm>> -> memref<125x80xi32, #tpu.memory_space<hbm>>
      %dma_wait3A_35 = arith.constant 0 : i32
      %dma_wait3A_36 = arith.constant 0 : i32
      %dma_wait3A_37 = tpu.memref_slice %arg4[%add3A, %dma_wait3A_35, %dma_wait3A_36] : memref<32x125x80xi32, #tpu.memory_space<hbm>> -> memref<1x125x80xi32, #tpu.memory_space<hbm>>
      %dma_wait3A_38 = tpu.memref_squeeze %dma_wait3A_37 : memref<1x125x80xi32, #tpu.memory_space<hbm>> -> memref<125x80xi32, #tpu.memory_space<hbm>>
      tpu.wait_dma2 semaphore(%run_scoped3A_22 : memref<!tpu.dma_semaphore, #tpu.memory_space<semaphore_mem>>) src(%dma_wait3A_38 : memref<125x80xi32, #tpu.memory_space<hbm>>) dst(%arg8 : memref<125x80xi32, #tpu.memory_space<vmem>>)
      tpu.yield
    }) : () -> ()
    %barrier3A = arith.constant 0 : index
    tpu.barrier barrier_id(%barrier3A)
    %dma_start3A = arith.constant 0 : i32
    %dma_start3A_5 = tpu.memref_slice %arg7[%dma_start3A] : memref<10000xi32, #tpu.memory_space<vmem>> -> memref<80xi32, #tpu.memory_space<vmem>>
    %dma_start3A_6 = arith.constant 0 : i32
    %dma_start3A_7 = arith.constant 0 : i32
    %dma_start3A_8 = tpu.memref_slice %arg2[%dma_start3A_6, %dma_start3A_7] : memref<10000x128xf32, #tpu.memory_space<hbm>> -> memref<10000x128xf32, #tpu.memory_space<hbm>>
    tpu.enqueue_indirect_dma source(%dma_start3A_8 : memref<10000x128xf32, #tpu.memory_space<hbm>>) target(%arg9 : memref<80x128xf32, #tpu.memory_space<vmem>>) offsets(%dma_start3A_5 : memref<80xi32, #tpu.memory_space<vmem>>) semaphore(%arg12 : memref<!tpu.dma_semaphore, #tpu.memory_space<semaphore_mem>>)
    %dma_wait3A = arith.constant 0 : i32
    %dma_wait3A_9 = tpu.memref_slice %arg7[%dma_wait3A] : memref<10000xi32, #tpu.memory_space<vmem>> -> memref<80xi32, #tpu.memory_space<vmem>>
    %dma_wait3A_10 = arith.constant 0 : i32
    %dma_wait3A_11 = arith.constant 0 : i32
    %dma_wait3A_12 = tpu.memref_slice %arg2[%dma_wait3A_10, %dma_wait3A_11] : memref<10000x128xf32, #tpu.memory_space<hbm>> -> memref<10000x128xf32, #tpu.memory_space<hbm>>
    tpu.wait_indirect_dma semaphore(%arg12 : memref<!tpu.dma_semaphore, #tpu.memory_space<semaphore_mem>>) src(%dma_wait3A_12 : memref<10000x128xf32, #tpu.memory_space<hbm>>) dst(%arg9 : memref<80x128xf32, #tpu.memory_space<vmem>>)
    %run_scoped3A = arith.constant 0 : i32
    "tpu.region"() ({
      %run_scoped3A_22 = tpu.sem_alloc : memref<!tpu.dma_semaphore, #tpu.memory_space<semaphore_mem>>
      %dma_start3A_23 = arith.constant 0 : i32
      %dma_start3A_24 = tpu.memref_slice %arg8[%run_scoped3A, %dma_start3A_23] : memref<125x80xi32, #tpu.memory_space<vmem>> -> memref<1x80xi32, #tpu.memory_space<vmem>>
      %dma_start3A_25 = tpu.memref_squeeze %dma_start3A_24 : memref<1x80xi32, #tpu.memory_space<vmem>> -> memref<80xi32, #tpu.memory_space<vmem>>
      %dma_start3A_26 = arith.constant 0 : i32
      %dma_start3A_27 = arith.constant 0 : i32
      %dma_start3A_28 = tpu.memref_slice %arg11[%dma_start3A_26, %dma_start3A_27] : memref<10112x128xf32, #tpu.memory_space<vmem_shared>> -> memref<10112x128xf32, #tpu.memory_space<vmem_shared>>
      tpu.enqueue_indirect_dma source(%arg9 : memref<80x128xf32, #tpu.memory_space<vmem>>) target(%dma_start3A_28 : memref<10112x128xf32, #tpu.memory_space<vmem_shared>>) offsets(%dma_start3A_25 : memref<80xi32, #tpu.memory_space<vmem>>) semaphore(%run_scoped3A_22 : memref<!tpu.dma_semaphore, #tpu.memory_space<semaphore_mem>>) {add = true}
      %dma_wait3A_29 = arith.constant 0 : i32
      %dma_wait3A_30 = tpu.memref_slice %arg8[%run_scoped3A, %dma_wait3A_29] : memref<125x80xi32, #tpu.memory_space<vmem>> -> memref<1x80xi32, #tpu.memory_space<vmem>>
      %dma_wait3A_31 = tpu.memref_squeeze %dma_wait3A_30 : memref<1x80xi32, #tpu.memory_space<vmem>> -> memref<80xi32, #tpu.memory_space<vmem>>
      %dma_wait3A_32 = arith.constant 0 : i32
      %dma_wait3A_33 = arith.constant 0 : i32
      %dma_wait3A_34 = tpu.memref_slice %arg11[%dma_wait3A_32, %dma_wait3A_33] : memref<10112x128xf32, #tpu.memory_space<vmem_shared>> -> memref<10112x128xf32, #tpu.memory_space<vmem_shared>>
      tpu.wait_indirect_dma semaphore(%run_scoped3A_22 : memref<!tpu.dma_semaphore, #tpu.memory_space<semaphore_mem>>) src(%arg9 : memref<80x128xf32, #tpu.memory_space<vmem>>) dst(%dma_wait3A_34 : memref<10112x128xf32, #tpu.memory_space<vmem_shared>>)
      tpu.yield
    }) : () -> ()
    %scan3A = arith.constant 0 : i32
    %scan3A_13 = arith.constant 62 : i32
    %scan3A_14 = arith.addi %scan3A, %scan3A_13 : i32
    %scan3A_15 = arith.constant 1 : i32
    scf.for %scan3A_22 = %scan3A to %scan3A_14 step %scan3A_15  : i32 {
      %mul3A_23 = arith.constant 2 : i32
      %mul3A_24 = arith.muli %scan3A_22, %mul3A_23 : i32
      %add3A_25 = arith.constant 1 : i32
      %add3A_26 = arith.addi %add3A_25, %mul3A_24 : i32
      %mul3A_27 = arith.constant 80 : i32
      %mul3A_28 = arith.muli %add3A_26, %mul3A_27 : i32
      %dma_start3A_29 = tpu.memref_slice %arg7[%mul3A_28] : memref<10000xi32, #tpu.memory_space<vmem>> -> memref<80xi32, #tpu.memory_space<vmem>>
      %dma_start3A_30 = arith.constant 0 : i32
      %dma_start3A_31 = arith.constant 0 : i32
      %dma_start3A_32 = tpu.memref_slice %arg2[%dma_start3A_30, %dma_start3A_31] : memref<10000x128xf32, #tpu.memory_space<hbm>> -> memref<10000x128xf32, #tpu.memory_space<hbm>>
      tpu.enqueue_indirect_dma source(%dma_start3A_32 : memref<10000x128xf32, #tpu.memory_space<hbm>>) target(%arg9 : memref<80x128xf32, #tpu.memory_space<vmem>>) offsets(%dma_start3A_29 : memref<80xi32, #tpu.memory_space<vmem>>) semaphore(%arg12 : memref<!tpu.dma_semaphore, #tpu.memory_space<semaphore_mem>>)
      %add3A_33 = arith.constant 1 : i32
      %add3A_34 = arith.addi %add3A_26, %add3A_33 : i32
      %mul3A_35 = arith.constant 80 : i32
      %mul3A_36 = arith.muli %add3A_34, %mul3A_35 : i32
      %dma_start3A_37 = tpu.memref_slice %arg7[%mul3A_36] : memref<10000xi32, #tpu.memory_space<vmem>> -> memref<80xi32, #tpu.memory_space<vmem>>
      %dma_start3A_38 = arith.constant 0 : i32
      %dma_start3A_39 = arith.constant 0 : i32
      %dma_start3A_40 = tpu.memref_slice %arg2[%dma_start3A_38, %dma_start3A_39] : memref<10000x128xf32, #tpu.memory_space<hbm>> -> memref<10000x128xf32, #tpu.memory_space<hbm>>
      tpu.enqueue_indirect_dma source(%dma_start3A_40 : memref<10000x128xf32, #tpu.memory_space<hbm>>) target(%arg10 : memref<80x128xf32, #tpu.memory_space<vmem>>) offsets(%dma_start3A_37 : memref<80xi32, #tpu.memory_space<vmem>>) semaphore(%arg13 : memref<!tpu.dma_semaphore, #tpu.memory_space<semaphore_mem>>)
      %dma_wait3A_41 = tpu.memref_slice %arg7[%mul3A_28] : memref<10000xi32, #tpu.memory_space<vmem>> -> memref<80xi32, #tpu.memory_space<vmem>>
      %dma_wait3A_42 = arith.constant 0 : i32
      %dma_wait3A_43 = arith.constant 0 : i32
      %dma_wait3A_44 = tpu.memref_slice %arg2[%dma_wait3A_42, %dma_wait3A_43] : memref<10000x128xf32, #tpu.memory_space<hbm>> -> memref<10000x128xf32, #tpu.memory_space<hbm>>
      tpu.wait_indirect_dma semaphore(%arg12 : memref<!tpu.dma_semaphore, #tpu.memory_space<semaphore_mem>>) src(%dma_wait3A_44 : memref<10000x128xf32, #tpu.memory_space<hbm>>) dst(%arg9 : memref<80x128xf32, #tpu.memory_space<vmem>>)
      "tpu.region"() ({
        %run_scoped3A_51 = tpu.sem_alloc : memref<!tpu.dma_semaphore, #tpu.memory_space<semaphore_mem>>
        %dma_start3A_52 = arith.constant 0 : i32
        %dma_start3A_53 = tpu.memref_slice %arg8[%add3A_26, %dma_start3A_52] : memref<125x80xi32, #tpu.memory_space<vmem>> -> memref<1x80xi32, #tpu.memory_space<vmem>>
        %dma_start3A_54 = tpu.memref_squeeze %dma_start3A_53 : memref<1x80xi32, #tpu.memory_space<vmem>> -> memref<80xi32, #tpu.memory_space<vmem>>
        %dma_start3A_55 = arith.constant 0 : i32
        %dma_start3A_56 = arith.constant 0 : i32
        %dma_start3A_57 = tpu.memref_slice %arg11[%dma_start3A_55, %dma_start3A_56] : memref<10112x128xf32, #tpu.memory_space<vmem_shared>> -> memref<10112x128xf32, #tpu.memory_space<vmem_shared>>
        tpu.enqueue_indirect_dma source(%arg9 : memref<80x128xf32, #tpu.memory_space<vmem>>) target(%dma_start3A_57 : memref<10112x128xf32, #tpu.memory_space<vmem_shared>>) offsets(%dma_start3A_54 : memref<80xi32, #tpu.memory_space<vmem>>) semaphore(%run_scoped3A_51 : memref<!tpu.dma_semaphore, #tpu.memory_space<semaphore_mem>>) {add = true}
        %dma_wait3A_58 = arith.constant 0 : i32
        %dma_wait3A_59 = tpu.memref_slice %arg8[%add3A_26, %dma_wait3A_58] : memref<125x80xi32, #tpu.memory_space<vmem>> -> memref<1x80xi32, #tpu.memory_space<vmem>>
        %dma_wait3A_60 = tpu.memref_squeeze %dma_wait3A_59 : memref<1x80xi32, #tpu.memory_space<vmem>> -> memref<80xi32, #tpu.memory_space<vmem>>
        %dma_wait3A_61 = arith.constant 0 : i32
        %dma_wait3A_62 = arith.constant 0 : i32
        %dma_wait3A_63 = tpu.memref_slice %arg11[%dma_wait3A_61, %dma_wait3A_62] : memref<10112x128xf32, #tpu.memory_space<vmem_shared>> -> memref<10112x128xf32, #tpu.memory_space<vmem_shared>>
        tpu.wait_indirect_dma semaphore(%run_scoped3A_51 : memref<!tpu.dma_semaphore, #tpu.memory_space<semaphore_mem>>) src(%arg9 : memref<80x128xf32, #tpu.memory_space<vmem>>) dst(%dma_wait3A_63 : memref<10112x128xf32, #tpu.memory_space<vmem_shared>>)
        tpu.yield
      }) : () -> ()
      %dma_wait3A_45 = tpu.memref_slice %arg7[%mul3A_36] : memref<10000xi32, #tpu.memory_space<vmem>> -> memref<80xi32, #tpu.memory_space<vmem>>
      %dma_wait3A_46 = arith.constant 0 : i32
      %dma_wait3A_47 = arith.constant 0 : i32
      %dma_wait3A_48 = tpu.memref_slice %arg2[%dma_wait3A_46, %dma_wait3A_47] : memref<10000x128xf32, #tpu.memory_space<hbm>> -> memref<10000x128xf32, #tpu.memory_space<hbm>>
      tpu.wait_indirect_dma semaphore(%arg13 : memref<!tpu.dma_semaphore, #tpu.memory_space<semaphore_mem>>) src(%dma_wait3A_48 : memref<10000x128xf32, #tpu.memory_space<hbm>>) dst(%arg10 : memref<80x128xf32, #tpu.memory_space<vmem>>)
      %add3A_49 = arith.constant 1 : i32
      %add3A_50 = arith.addi %add3A_26, %add3A_49 : i32
      "tpu.region"() ({
        %run_scoped3A_51 = tpu.sem_alloc : memref<!tpu.dma_semaphore, #tpu.memory_space<semaphore_mem>>
        %dma_start3A_52 = arith.constant 0 : i32
        %dma_start3A_53 = tpu.memref_slice %arg8[%add3A_50, %dma_start3A_52] : memref<125x80xi32, #tpu.memory_space<vmem>> -> memref<1x80xi32, #tpu.memory_space<vmem>>
        %dma_start3A_54 = tpu.memref_squeeze %dma_start3A_53 : memref<1x80xi32, #tpu.memory_space<vmem>> -> memref<80xi32, #tpu.memory_space<vmem>>
        %dma_start3A_55 = arith.constant 0 : i32
        %dma_start3A_56 = arith.constant 0 : i32
        %dma_start3A_57 = tpu.memref_slice %arg11[%dma_start3A_55, %dma_start3A_56] : memref<10112x128xf32, #tpu.memory_space<vmem_shared>> -> memref<10112x128xf32, #tpu.memory_space<vmem_shared>>
        tpu.enqueue_indirect_dma source(%arg10 : memref<80x128xf32, #tpu.memory_space<vmem>>) target(%dma_start3A_57 : memref<10112x128xf32, #tpu.memory_space<vmem_shared>>) offsets(%dma_start3A_54 : memref<80xi32, #tpu.memory_space<vmem>>) semaphore(%run_scoped3A_51 : memref<!tpu.dma_semaphore, #tpu.memory_space<semaphore_mem>>) {add = true}
        %dma_wait3A_58 = arith.constant 0 : i32
        %dma_wait3A_59 = tpu.memref_slice %arg8[%add3A_50, %dma_wait3A_58] : memref<125x80xi32, #tpu.memory_space<vmem>> -> memref<1x80xi32, #tpu.memory_space<vmem>>
        %dma_wait3A_60 = tpu.memref_squeeze %dma_wait3A_59 : memref<1x80xi32, #tpu.memory_space<vmem>> -> memref<80xi32, #tpu.memory_space<vmem>>
        %dma_wait3A_61 = arith.constant 0 : i32
        %dma_wait3A_62 = arith.constant 0 : i32
        %dma_wait3A_63 = tpu.memref_slice %arg11[%dma_wait3A_61, %dma_wait3A_62] : memref<10112x128xf32, #tpu.memory_space<vmem_shared>> -> memref<10112x128xf32, #tpu.memory_space<vmem_shared>>
        tpu.wait_indirect_dma semaphore(%run_scoped3A_51 : memref<!tpu.dma_semaphore, #tpu.memory_space<semaphore_mem>>) src(%arg10 : memref<80x128xf32, #tpu.memory_space<vmem>>) dst(%dma_wait3A_63 : memref<10112x128xf32, #tpu.memory_space<vmem_shared>>)
        tpu.yield
      }) : () -> ()
    }
    %scan3A_16 = arith.constant 62 : i32
    %barrier3A_17 = arith.constant 0 : index
    tpu.barrier barrier_id(%barrier3A_17)
    %mul3A_18 = arith.constant 632 : i32
    %mul3A_19 = arith.muli %arg1, %mul3A_18 : i32
    %mul3A_20 = arith.constant 632 : i32
    %mul3A_21 = arith.muli %arg1, %mul3A_20 : i32
    "tpu.region"() ({
      %run_scoped3A_22 = tpu.sem_alloc : memref<!tpu.dma_semaphore, #tpu.memory_space<semaphore_mem>>
      %dma_start3A_23 = arith.constant 0 : i32
      %dma_start3A_24 = tpu.memref_slice %arg6[%arg0, %mul3A_21, %dma_start3A_23] : memref<2x10112x128xf32, #tpu.memory_space<hbm>> -> memref<1x632x128xf32, #tpu.memory_space<hbm>>
      %dma_start3A_25 = tpu.memref_squeeze %dma_start3A_24 : memref<1x632x128xf32, #tpu.memory_space<hbm>> -> memref<632x128xf32, #tpu.memory_space<hbm>>
      %dma_start3A_26 = arith.constant 0 : i32
      %dma_start3A_27 = tpu.memref_slice %arg11[%mul3A_19, %dma_start3A_26] : memref<10112x128xf32, #tpu.memory_space<vmem_shared>> -> memref<632x128xf32, #tpu.memory_space<vmem_shared>>
      tpu.enqueue_dma source(%dma_start3A_27 : memref<632x128xf32, #tpu.memory_space<vmem_shared>>) target(%dma_start3A_25 : memref<632x128xf32, #tpu.memory_space<hbm>>) target_semaphore(%run_scoped3A_22 : memref<!tpu.dma_semaphore, #tpu.memory_space<semaphore_mem>>)
      %dma_wait3A_28 = arith.constant 0 : i32
      %dma_wait3A_29 = tpu.memref_slice %arg6[%arg0, %mul3A_21, %dma_wait3A_28] : memref<2x10112x128xf32, #tpu.memory_space<hbm>> -> memref<1x632x128xf32, #tpu.memory_space<hbm>>
      %dma_wait3A_30 = tpu.memref_squeeze %dma_wait3A_29 : memref<1x632x128xf32, #tpu.memory_space<hbm>> -> memref<632x128xf32, #tpu.memory_space<hbm>>
      %dma_wait3A_31 = arith.constant 0 : i32
      %dma_wait3A_32 = tpu.memref_slice %arg11[%mul3A_19, %dma_wait3A_31] : memref<10112x128xf32, #tpu.memory_space<vmem_shared>> -> memref<632x128xf32, #tpu.memory_space<vmem_shared>>
      tpu.wait_dma2 semaphore(%run_scoped3A_22 : memref<!tpu.dma_semaphore, #tpu.memory_space<semaphore_mem>>) src(%dma_wait3A_32 : memref<632x128xf32, #tpu.memory_space<vmem_shared>>) dst(%dma_wait3A_30 : memref<632x128xf32, #tpu.memory_space<hbm>>)
      tpu.yield
    }) : () -> ()
    return
  }
}

module attributes {stable_mosaic.version = 14 : i64} {
  func.func @body(%arg0: memref<10000x128xf32, #tpu.memory_space<vmem>>, %arg1: memref<128x128xf32, #tpu.memory_space<vmem>>, %arg2: memref<10000x128xf32, #tpu.memory_space<vmem>>) attributes {dimension_semantics = [], scalar_prefetch = 0 : i64, scratch_operands = 0 : i64, tpu.core_type = #tpu.core_type<tc>} {
    %get3A = arith.constant 0 : index
    %get3A_0 = arith.constant 0 : index
    %get3A_1 = vector.load %arg0[%get3A, %get3A_0] : memref<10000x128xf32, #tpu.memory_space<vmem>>, vector<10000x128xf32>
    %get3A_2 = arith.constant 0 : index
    %get3A_3 = arith.constant 0 : index
    %get3A_4 = vector.load %arg1[%get3A_2, %get3A_3] : memref<128x128xf32, #tpu.memory_space<vmem>>, vector<128x128xf32>
    %dot_general3A = arith.constant dense<0.000000e+00> : vector<10000x128xf32>
    %dot_general3A_5 = tpu.matmul %get3A_1, %get3A_4, %dot_general3A {dimension_numbers = #tpu.dot_dimension_numbers<[1], [0], [0], [1], [0, 0, 1, 1], [], []>, transpose_lhs_hint = false} : vector<10000x128xf32>, vector<128x128xf32>, vector<10000x128xf32> -> vector<10000x128xf32>
    %swap3A = arith.constant 0 : index
    %swap3A_6 = arith.constant 0 : index
    %swap3A_7 = vector.load %arg2[%swap3A, %swap3A_6] : memref<10000x128xf32, #tpu.memory_space<vmem>>, vector<10000x128xf32>
    tpu.vector_store %arg2[%swap3A, %swap3A_6], %dot_general3A_5 {strides = array<i32>} : memref<10000x128xf32, #tpu.memory_space<vmem>>, vector<10000x128xf32>,
    return
  }
}

module attributes {stable_mosaic.version = 14 : i64} {
  func.func @body(%arg0: memref<10000x128xf32, #tpu.memory_space<vmem>>, %arg1: memref<10000x32xf32, #tpu.memory_space<vmem>>, %arg2: memref<10000x128xf32, #tpu.memory_space<vmem>>, %arg3: memref<10000x1xf32, #tpu.memory_space<vmem>>) attributes {dimension_semantics = [], scalar_prefetch = 0 : i64, scratch_operands = 0 : i64, tpu.core_type = #tpu.core_type<tc>} {
    %get3A = arith.constant 0 : index
    %get3A_0 = arith.constant 0 : index
    %get3A_1 = vector.load %arg1[%get3A, %get3A_0] : memref<10000x32xf32, #tpu.memory_space<vmem>>, vector<10000x32xf32>
    %reduce_sum3A = arith.constant dense<0.000000e+00> : vector<10000xf32>
    %reduce_sum3A_2 = vector.multi_reduction <add>, %get3A_1, %reduce_sum3A [1] : vector<10000x32xf32> to vector<10000xf32>
    %broadcast_in_dim3A = vector.shape_cast %reduce_sum3A_2 : vector<10000xf32> to vector<10000x1xf32>
    %gt3A = arith.constant 0.000000e+00 : f32
    %gt3A_3 = vector.broadcast %gt3A : f32 to vector<10000x1xf32>
    %gt3A_4 = arith.cmpf ogt, %broadcast_in_dim3A, %gt3A_3 : vector<10000x1xf32>
    %max3A = arith.constant 1.000000e+00 : f32
    %max3A_5 = vector.broadcast %max3A : f32 to vector<10000x1xf32>
    %max3A_6 = arith.maximumf %broadcast_in_dim3A, %max3A_5 : vector<10000x1xf32>
    %rsqrt3A = math.rsqrt %max3A_6 : vector<10000x1xf32>
    %jit3A = arith.constant 0.000000e+00 : f32
    %broadcast_in_dim3A_7 = vector.broadcast %jit3A : f32 to vector<10000x1xf32>
    %select_n3A = arith.select %gt3A_4, %rsqrt3A, %broadcast_in_dim3A_7 : vector<10000x1xi1>, vector<10000x1xf32>
    %get3A_8 = arith.constant 0 : index
    %get3A_9 = arith.constant 0 : index
    %get3A_10 = vector.load %arg0[%get3A_8, %get3A_9] : memref<10000x128xf32, #tpu.memory_space<vmem>>, vector<10000x128xf32>
    %mul3A = vector.broadcast %select_n3A : vector<10000x1xf32> to vector<10000x128xf32>
    %mul3A_11 = arith.mulf %get3A_10, %mul3A : vector<10000x128xf32>
    %swap3A = arith.constant 0 : index
    %swap3A_12 = arith.constant 0 : index
    %swap3A_13 = vector.load %arg2[%swap3A, %swap3A_12] : memref<10000x128xf32, #tpu.memory_space<vmem>>, vector<10000x128xf32>
    tpu.vector_store %arg2[%swap3A, %swap3A_12], %mul3A_11 {strides = array<i32>} : memref<10000x128xf32, #tpu.memory_space<vmem>>, vector<10000x128xf32>,
    %swap3A_14 = arith.constant 0 : index
    %swap3A_15 = arith.constant 0 : index
    %swap3A_16 = vector.load %arg3[%swap3A_14, %swap3A_15] : memref<10000x1xf32, #tpu.memory_space<vmem>>, vector<10000x1xf32>
    tpu.vector_store %arg3[%swap3A_14, %swap3A_15], %select_n3A {strides = array<i32>} : memref<10000x1xf32, #tpu.memory_space<vmem>>, vector<10000x1xf32>,
    return
  }
}

module attributes {stable_mosaic.version = 14 : i64} {
  func.func @body(%arg0: memref<10000x128xf32, #tpu.memory_space<vmem>>, %arg1: memref<10000x128xf32, #tpu.memory_space<vmem>>, %arg2: memref<10000x1xf32, #tpu.memory_space<vmem>>, %arg3: memref<1x128xf32, #tpu.memory_space<vmem>>, %arg4: memref<128x128xf32, #tpu.memory_space<vmem>>, %arg5: memref<10000x128xf32, #tpu.memory_space<vmem>>) attributes {dimension_semantics = [], scalar_prefetch = 0 : i64, scratch_operands = 0 : i64, tpu.core_type = #tpu.core_type<tc>} {
    %get3A = arith.constant 0 : index
    %get3A_0 = arith.constant 0 : index
    %get3A_1 = vector.load %arg2[%get3A, %get3A_0] : memref<10000x1xf32, #tpu.memory_space<vmem>>, vector<10000x1xf32>
    %get3A_2 = arith.constant 0 : index
    %get3A_3 = arith.constant 0 : index
    %get3A_4 = vector.load %arg0[%get3A_2, %get3A_3] : memref<10000x128xf32, #tpu.memory_space<vmem>>, vector<10000x128xf32>
    %get3A_5 = arith.constant 0 : index
    %get3A_6 = arith.constant 0 : index
    %get3A_7 = vector.load %arg1[%get3A_5, %get3A_6] : memref<10000x128xf32, #tpu.memory_space<vmem>>, vector<10000x128xf32>
    %add3A = arith.addf %get3A_4, %get3A_7 : vector<10000x128xf32>
    %mul3A = vector.broadcast %get3A_1 : vector<10000x1xf32> to vector<10000x128xf32>
    %mul3A_8 = arith.mulf %add3A, %mul3A : vector<10000x128xf32>
    %get3A_9 = arith.constant 0 : index
    %get3A_10 = arith.constant 0 : index
    %get3A_11 = vector.load %arg3[%get3A_9, %get3A_10] : memref<1x128xf32, #tpu.memory_space<vmem>>, vector<1x128xf32>
    %add3A_12 = vector.broadcast %get3A_11 : vector<1x128xf32> to vector<10000x128xf32>
    %add3A_13 = arith.addf %mul3A_8, %add3A_12 : vector<10000x128xf32>
    %max3A = arith.constant 0.000000e+00 : f32
    %max3A_14 = vector.broadcast %max3A : f32 to vector<10000x128xf32>
    %max3A_15 = arith.maximumf %add3A_13, %max3A_14 : vector<10000x128xf32>
    %get3A_16 = arith.constant 0 : index
    %get3A_17 = arith.constant 0 : index
    %get3A_18 = vector.load %arg4[%get3A_16, %get3A_17] : memref<128x128xf32, #tpu.memory_space<vmem>>, vector<128x128xf32>
    %dot_general3A = arith.constant dense<0.000000e+00> : vector<10000x128xf32>
    %dot_general3A_19 = tpu.matmul %max3A_15, %get3A_18, %dot_general3A {dimension_numbers = #tpu.dot_dimension_numbers<[1], [0], [0], [1], [0, 0, 1, 1], [], []>, transpose_lhs_hint = false} : vector<10000x128xf32>, vector<128x128xf32>, vector<10000x128xf32> -> vector<10000x128xf32>
    %mul3A_20 = vector.broadcast %get3A_1 : vector<10000x1xf32> to vector<10000x128xf32>
    %mul3A_21 = arith.mulf %dot_general3A_19, %mul3A_20 : vector<10000x128xf32>
    %swap3A = arith.constant 0 : index
    %swap3A_22 = arith.constant 0 : index
    %swap3A_23 = vector.load %arg5[%swap3A, %swap3A_22] : memref<10000x128xf32, #tpu.memory_space<vmem>>, vector<10000x128xf32>
    tpu.vector_store %arg5[%swap3A, %swap3A_22], %mul3A_21 {strides = array<i32>} : memref<10000x128xf32, #tpu.memory_space<vmem>>, vector<10000x128xf32>,
    return
  }
}

module attributes {stable_mosaic.version = 14 : i64} {
  func.func @body(%arg0: memref<10000x128xf32, #tpu.memory_space<vmem>>, %arg1: memref<10000x128xf32, #tpu.memory_space<vmem>>, %arg2: memref<10000x1xf32, #tpu.memory_space<vmem>>, %arg3: memref<1x128xf32, #tpu.memory_space<vmem>>, %arg4: memref<10000x128xf32, #tpu.memory_space<vmem>>) attributes {dimension_semantics = [], scalar_prefetch = 0 : i64, scratch_operands = 0 : i64, tpu.core_type = #tpu.core_type<tc>} {
    %get3A = arith.constant 0 : index
    %get3A_0 = arith.constant 0 : index
    %get3A_1 = vector.load %arg0[%get3A, %get3A_0] : memref<10000x128xf32, #tpu.memory_space<vmem>>, vector<10000x128xf32>
    %get3A_2 = arith.constant 0 : index
    %get3A_3 = arith.constant 0 : index
    %get3A_4 = vector.load %arg1[%get3A_2, %get3A_3] : memref<10000x128xf32, #tpu.memory_space<vmem>>, vector<10000x128xf32>
    %add3A = arith.addf %get3A_1, %get3A_4 : vector<10000x128xf32>
    %get3A_5 = arith.constant 0 : index
    %get3A_6 = arith.constant 0 : index
    %get3A_7 = vector.load %arg2[%get3A_5, %get3A_6] : memref<10000x1xf32, #tpu.memory_space<vmem>>, vector<10000x1xf32>
    %mul3A = vector.broadcast %get3A_7 : vector<10000x1xf32> to vector<10000x128xf32>
    %mul3A_8 = arith.mulf %add3A, %mul3A : vector<10000x128xf32>
    %get3A_9 = arith.constant 0 : index
    %get3A_10 = arith.constant 0 : index
    %get3A_11 = vector.load %arg3[%get3A_9, %get3A_10] : memref<1x128xf32, #tpu.memory_space<vmem>>, vector<1x128xf32>
    %add3A_12 = vector.broadcast %get3A_11 : vector<1x128xf32> to vector<10000x128xf32>
    %add3A_13 = arith.addf %mul3A_8, %add3A_12 : vector<10000x128xf32>
    %swap3A = arith.constant 0 : index
    %swap3A_14 = arith.constant 0 : index
    %swap3A_15 = vector.load %arg4[%swap3A, %swap3A_14] : memref<10000x128xf32, #tpu.memory_space<vmem>>, vector<10000x128xf32>
    tpu.vector_store %arg4[%swap3A, %swap3A_14], %add3A_13 {strides = array<i32>} : memref<10000x128xf32, #tpu.memory_space<vmem>>, vector<10000x128xf32>,
    return
  }
}

</mosaic_0001>

<sc_bundles>
// kernel: kernel.12.cloned.1.call-start
scs
__scs_entry_jumppad:
0x0: {  	(pc) =	sbr.rel $0x88, $3  }
0x1: {  	(tag) =	ssettag $0x0;
	lr =	simm.s32 $0x1  }
0x2: {  	[smem:$0x3F9B] =	sst lr;
	_ =	strace $0xD0000000  }
0x3: {  	_ = 	snop  }
0x4: {  	_ = 	snop  }
0x5: {  	_ = 	snop  }
0x6: {  	_ = 	snop  }
0x7: {  	_ = 	snop  }
__scs_overlays_trampoline_lowered:
0x8: {  	[smem:$0x3FAA] =	sst s0  }
0x9: {  	[smem:$0x3FAB] =	sst s1  }
0xa: {  	[smem:$0x3FAC] =	sst s2  }
0xb: {  	[smem:$0x3FAD] =	sst s3  }
0xc: {  	[smem:$0x3FAE] =	sst s4  }
0xd: {  	[smem:$0x3FAF] =	sst s5  }
0xe: {  	[smem:$0x3FB0] =	sst s6  }
0xf: {  	[smem:$0x3FB1] =	sst s7  }
0x10: {  	[smem:$0x3FB2] =	sst s8  }
0x11: {  	[smem:$0x3FB3] =	sst s9;
	s0 =	simm.s32 @!p0 $0x0  }
0x12: {  	s1 =	sld [smem:$0x3F99];
	s0 =	simm.s32 @p0 $0x1  }
0x13: {  	[smem:$0x3FB4] =	sst s0;
	s0 =	simm.s32 @!p1 $0x0  }
0x14: {  	s2 =	sld [smem:$0x3F98];
	s0 =	simm.s32 @p1 $0x1  }
0x15: {  	[smem:$0x3FB5] =	sst s0;
	s0 =	simm.s32 @!p2 $0x0  }
0x16: {  	s3 =	sld [smem:$0x3FDB];
	s0 =	simm.s32 @p2 $0x1  }
0x17: {  	s4 =	simm.s32 $0x1BF5;
	[smem:$0x3FB7] =	sst s0  }
0x18: {  	s0 =	sld [smem:$0x3F9A];
	_ =	swait.ge [sflag:s4], $0x0  }
0x19: {  	s7 =	sld [smem:$0x3F9B]  }
0x1a: {  	s8 =	sadd.s32 $0xFFFFE003, lr  }
0x1b: {  	s9 =	sadd.s32 $0xFFFFFEF7, lr;
	s5 =	simm.s32 $0xFFFFFFFF;
	p2 =	slt.u32 s8, $0xFFFFF086  }
0x1c: {  	p1 =	slt.u32 s9, $0xF7A;
	s5 =	simm.s32 @!p2 $0x0  }
0x1d: {  	s5 =	simm.s32 @p1 $0x1;
	p0 =	seq.s32 s7, s2  }
0x1e: {  	s7 =	smul.u32 @!p0 $0xF7A, s2;
	p2 =	seq.s32 @!p0 s5, $0x0  }
0x1f: {  	s9 =	smul.u32 $0xF7A, s1;
	s8 =	simm.s32 @!p0 $0x1BF5;
	p2 =	por !p2, p0  }
0x20: {  	[sflag:s8] =	ssyncset.s32 @!p0 $0xFFFFF086;
	s6 =	sadd.s32 @!p0 s3, s7;
	s7 =	simm.s32 @!p0 $0x108  }
0x21: {  	s3 =	sadd.s32 s3, s9;
	s6 =	sadd.s32 @!p0 $0x88, s6;
	s7 =	simm.s32 @p2 $0x1082  }
0x22: {  	[simem:s7], [sflag:s8] =	dma.local @!p0 [hbm:s6], $0xF7A  }
0x23: {  	s9 =	sor.u32 $0xD0000000, s2;
	s6 =	simm.s32 $0x108;
	_ =	swait.ge @!p0 [sflag:s8], $0x0  }
0x24: {  	s3 =	sadd.s32 $0x88, s3;
	s6 =	simm.s32 @!p1 $0x1082;
	[sflag:s4] =	ssyncset.s32 $0xFFFFF086  }
0x25: {  	[simem:s6], [sflag:s4] =	dma.local [hbm:s3], $0xF7A  }
0x26: {  	[smem:$0x3F9B] =	sst s1;
	(tag) =	ssettag s2;
	_ =	strace s9  }
0x27: {  	s1 =	sld [smem:$0x3FAB]  }
0x28: {  	s2 =	sld [smem:$0x3FAC]  }
0x29: {  	s4 =	sld [smem:$0x3FAE]  }
0x2a: {  	p0 =	seq.s32 s5, $0x0;
	s5 =	sld [smem:$0x3FAF]  }
0x2b: {  	s6 =	sld [smem:$0x3FB0]  }
0x2c: {  	s7 =	sld [smem:$0x3FB1]  }
0x2d: {  	s3 =	simm.s32 $0x108;
	s8 =	sld [smem:$0x3FB2]  }
0x2e: {  	s3 =	simm.s32 @!p0 $0x1082;
	s9 =	sld [smem:$0x3FB3]  }
0x2f: {  	lr =	sadd.s32 s0, s3;
	s0 =	sld [smem:$0x3FAA]  }
0x30: {  	s3 =	sld [smem:$0x3FAD]  }
0x31: {  	[smem:$0x3FB6] =	sst s10  }
0x32: {  	s10 =	sld [smem:$0x3FB4];
	_ =	sdelay $0x3  }
0x33: {  	p0 =	seq.s32 s10, $0x1;
	s10 =	sld [smem:$0x3FB6];
	_ =	sdelay $0x3  }
0x34: {  	[smem:$0x3FB6] =	sst s10  }
0x35: {  	s10 =	sld [smem:$0x3FB5];
	_ =	sdelay $0x3  }
0x36: {  	p1 =	seq.s32 s10, $0x1;
	s10 =	sld [smem:$0x3FB6];
	_ =	sdelay $0x3  }
0x37: {  	[smem:$0x3FB6] =	sst s10  }
0x38: {  	s10 =	sld [smem:$0x3FB7]  }
0x39: {  	_ = 	snop;
	(pc) =	sbr.ind lr, $3  }
0x3a: {  	_ = 	snop  }
0x3b: {  	_ = 	snop  }
0x3c: {  	p2 =	seq.s32 s10, $0x1;
	s10 =	sld [smem:$0x3FB6]  }
0x3d: {  	_ =	shalt  }
0x3e: {  	_ =	shalt  }
0x3f: {  	_ =	shalt  }
0x40: {  	_ =	shalt  }
0x41: {  	_ =	shalt  }
0x42: {  	_ =	shalt  }
0x43: {  	_ =	shalt  }
0x44: {  	_ =	shalt  }
0x45: {  	_ =	shalt  }
0x46: {  	_ =	shalt  }
0x47: {  	_ =	shalt  }
0x48: {  	_ =	shalt  }
0x49: {  	_ =	shalt  }
0x4a: {  	_ =	shalt  }
0x4b: {  	_ =	shalt  }
0x4c: {  	_ =	shalt  }
0x4d: {  	_ =	shalt  }
0x4e: {  	_ =	shalt  }
0x4f: {  	_ =	shalt  }
0x50: {  	_ =	shalt  }
0x51: {  	_ =	shalt  }
0x52: {  	_ =	shalt  }
0x53: {  	_ =	shalt  }
0x54: {  	_ =	shalt  }
0x55: {  	_ =	shalt  }
0x56: {  	_ =	shalt  }
0x57: {  	_ =	shalt  }
0x58: {  	_ =	shalt  }
0x59: {  	_ =	shalt  }
0x5a: {  	_ =	shalt  }
0x5b: {  	_ =	shalt  }
0x5c: {  	_ =	shalt  }
0x5d: {  	_ =	shalt  }
0x5e: {  	_ =	shalt  }
0x5f: {  	_ =	shalt  }
0x60: {  	_ =	shalt  }
0x61: {  	_ =	shalt  }
0x62: {  	_ =	shalt  }
0x63: {  	_ =	shalt  }
0x64: {  	_ =	shalt  }
0x65: {  	_ =	shalt  }
0x66: {  	_ =	shalt  }
0x67: {  	_ =	shalt  }
0x68: {  	_ =	shalt  }
0x69: {  	_ =	shalt  }
0x6a: {  	_ =	shalt  }
0x6b: {  	_ =	shalt  }
0x6c: {  	_ =	shalt  }
0x6d: {  	_ =	shalt  }
0x6e: {  	_ =	shalt  }
0x6f: {  	_ =	shalt  }
0x70: {  	_ =	shalt  }
0x71: {  	_ =	shalt  }
0x72: {  	_ =	shalt  }
0x73: {  	_ =	shalt  }
0x74: {  	_ =	shalt  }
0x75: {  	_ =	shalt  }
0x76: {  	_ =	shalt  }
0x77: {  	_ =	shalt  }
0x78: {  	_ =	shalt  }
0x79: {  	_ =	shalt  }
0x7a: {  	_ =	shalt  }
0x7b: {  	_ =	shalt  }
0x7c: {  	_ =	shalt  }
0x7d: {  	_ =	shalt  }
0x7e: {  	_ =	shalt  }
0x7f: {  	_ =	shalt  }
0x80: {  	_ =	shalt  }
0x81: {  	_ =	shalt  }
0x82: {  	_ =	shalt  }
0x83: {  	_ =	shalt  }
0x84: {  	_ =	shalt  }
0x85: {  	_ =	shalt  }
0x86: {  	_ =	shalt  }
0x87: {  	_ =	shalt  }
.Lfunc_end0:
.L_simem_size_0:
called_computation.1_lowered:
.L_overlay_start_0:
0x88: {  	s2 =	sld [smem:$0x3FD9]  }
0x89: {  	s3 =	sld [smem:$0x3FFE];
	_ =	sdelay $0x1  }
0x8a: {  	s1 =	srdreg.scid  }
0x8b: {  	s0 =	sand.u32 $0x1, s1  }
0x8c: {  	s17 =	sshll.u32 s0, $0xA;
	s2 =	sadd.s32 s3, s2  }
0x8d: {  	s2 =	sadd.s32 s2, s17  }
0x8e: {  	[smem:$0x3FC2] =	sst s2  }
0x8f: {  	_ = 	snop  }
0x90: {  	s2 =	sld [smem:$0x3FD0];
	(tm) =	ssettm $0x1  }
0x91: {  	s18 =	sld [smem:$0x3FFB];
	_ =	sdelay $0x3  }
0x92: {  	_ =	strace s18  }
0x93: {  	s3 =	sld [smem:$0x3FFC];
	_ =	sdelay $0x3  }
0x94: {  	_ =	strace s3  }
0x95: {  	s3 =	sld [smem:$0x3FFD];
	_ =	sdelay $0x3  }
0x96: {  	_ =	strace s3  }
0x97: {  	_ =	strace $0x8FFFFFFF  }
0x98: {  	s19 =	sld [smem:$0x3FDB];
	_ =	sdelay $0x1  }
0x99: {  	s4 =	simm.s32 $_scs_section_size  }
0x9a: {  	s5 =	simm.s32 $_size__tile_overlayer_lowered;
	s6 =	simm.s32 $_tile_overlayer_lowered  }
0x9b: {  	s22 =	simm.s32 $0x1BFF;
	s21 =	sshll.u32 s6, $0x1;
	s3 =	sadd.s32 s4, s19  }
0x9c: {  	s7 =	simm.s32 $0x0;
	s20 =	sshll.u32 s5, $0x1;
	s5 =	sadd.s32 s21, s3  }
0x9d: {  	[timem:s7], [sflag:s22] =	dma.local [hbm:s5], s20  }
0x9e: {  	_ =	swait.ge [sflag:s22], s20  }
0x9f: {  	s4 =	ssub.s32 $0x0, s20;
	[sflag:s22] =	ssyncset.done $0x0  }
0xa0: {  	[sflag:s22] =	ssyncadd.s32 s4;
	_ =	sdelay $0x1  }
0xa1: {  	s23 =	simm.s32 $0x1B8B  }
0xa2: {  	_ =	swait.ge [sflag:s23], $0x1  }
0xa3: {  	[sflag:s23] =	ssyncset.done $0x0  }
0xa4: {  	s25 =	simm.s32 $0x1B8E;
	s24 =	sld [smem:$0x3FFE];
	[sflag:s23] =	ssyncadd.s32 $0xFFFFFFFF  }
0xa5: {  	s26 =	simm.s32 $execute0_lowered;
	[smem:$0x3FD2] =	sst s25  }
0xa6: {  	s5 =	sshll.u32 s26, $0x1;
	_ =	strace $0x80000049;
	[dreg:$0x1] =	wrdreg $0xFFFFFFFF  }
0xa7: {  	s28 =	simm.s32 $_size_execute0_lowered;
	s3 =	sadd.s32 s3, s5;
	[dreg:$0x0] =	wrdreg $0x0  }
0xa8: {  	s5 =	sshll.u32 s28, $0x1;
	[dreg:$0x2] =	wrdreg s3  }
0xa9: {  	[dreg:$0x3] =	wrdreg s5  }
0xaa: {  	[dreg:$0x4] =	wrdreg $0xC0  }
0xab: {  	_ =	task [dreg:s7], $0x5FFFF  }
0xac: {  	[dreg:$0x1] =	wrdreg $0xFFFFFFFF  }
0xad: {  	[dreg:$0x0] =	wrdreg $0x60  }
0xae: {  	[dreg:$0x2] =	wrdreg s2  }
0xaf: {  	[dreg:$0x3] =	wrdreg s24  }
0xb0: {  	[dreg:$0x4] =	wrdreg $0xB7800  }
0xb1: {  	[dreg:$0x5] =	wrdreg $0x9  }
0xb2: {  	_ =	task.clear_ibuf [dreg:s7], $0x6FFFF;
	_ =	strace $0x90000049  }
0xb3: {  	s29 =	simm.s32 $0x9;
	_ =	strace $0x8000004B  }
0xb4: {  	_ =	swait.ge [sflag:s29], $0x1  }
0xb5: {  	[sflag:s29] =	ssyncadd.s32 $0xFFFFFFFF  }
0xb6: {  	_ =	strace $0x9000004B  }
0xb7: {  	_ =	sfence  }
0xb8: {  	s30 =	sld [smem:$0x0];
	_ =	sdelay $0x2  }
0xb9: {  	s31 =	sshll.u32 s1, $0xD;
	s1 =	sshrl.u32 s1, $0x2  }
0xba: {  	s3 =	sand.u32 $0x4000, s31;
	s1 =	sadd.s32 s1, s30  }
0xbb: {  	s0 =	sor.u32 s3, s0;
	s1 =	sshll.u32 s1, $0x11  }
0xbc: {  	s0 =	sor.u32 s1, s0  }
0xbd: {  	s0 =	sadd.s32 $0x8F2B, s0  }
0xbe: {  	[sflag:s0] =	ssyncadd.remote.s32 $0x1  }
0xbf: {  	_ =	sfence.sel $0xFFFF  }
0xc0: {  	[dreg:$0x0] =	wrdreg $0xFFFFFFFF;
	(pc) =	sbr.abs _section_cstart, $3  }
0xc1: {  	[dreg:$0x1] =	wrdreg $0xFFFFFFFF  }
0xc2: {  	_ =	task.clear_ibuf [dreg:s7], $0x2FFFF;
	_ =	strace $0x9FFFFFFF  }
0xc3: {  	(tm) =	ssettm $0x7FFFFFFF  }
tec
execute0_lowered:
.L_overlay_start_1:
0x0: {  	(tag) =	ssettag $0x1  }
0x1: {  	s1 =	rddreg [dreg:$0x0]  }
0x2: {  	s6 =	rddreg [dreg:$0x1]  }
0x3: {  	s0 =	srdreg.scid;
	s3 =	rddreg [dreg:$0x2]  }
0x4: {  	s4 =	simm.s32 $0x0;
	s15 =	simm.s32 $0x1;
	s16 =	simm.s32 $0x50  }
0x5: {  	s17 =	simm.s32 $0x8F80;
	s18 =	simm.s32 $0x2;
	s5 =	sand.u32 $0x1, s0  }
0x6: {  	s19 =	simm.s32 $0x0;
	s0 =	stileid.u32;
	s9 =	smul.u32 $0x13C000, s5  }
0x7: {  	[smem:$0x7FF] =	sst s4;
	s2 =	sshll.u32 s5, $0x4;
	s10 =	smul.u32 $0x13C00, s0  }
0x8: {  	s26 =	ssub.s32 $0x2, s5;
	s28 =	smul.u32 $0x4F000, s0;
	s5 =	sadd.s32 $0x2000, s6  }
0x9: {  	s31 =	sshll.u32 s0, $0x6;
	s7 =	sor.u32 s0, s2;
	s2 =	rddreg [dreg:$0x3]  }
0xa: {  	_ =	strace $0x8000004A;
	s29 =	sshrl.u32 s26, $0x1;
	s8 =	smul.u32 $0x4E2, s7  }
0xb: {  	s7 =	sshll.u32 s7, $0xB;
	s25 =	sadd.s32 s10, s9;
	s13 =	ssub.s32 s26, s29  }
0xc: {  	s30 =	sshrl.u32 s28, $0x2;
	s11 =	sadd.s32 s7, s6;
	s7 =	sshrl.u32 s25, $0x3  }
0xd: {  	s14 =	sadd.s32 s30, s3;
	s10 =	smax.u32 s13, $0x1;
	s13 =	simm.s32 $0x2780  }
0xe: {  	s8 =	sadd.s32 s8, s6;
	s12 =	sadd.s32 s7, s6;
	s6 =	sor.u32 $0x1C03, s31  }
0xf: {  	s7 =	sadd.s32 $0xBE00, s8;
	s8 =	sadd.s32 $0x16200, s11;
	s9 =	sadd.s32 $0x26200, s12  }
0x10: {  	s11 =	sshrl.u32 s14, $0x3;
	s12 =	simm.s32 $0x3;
	s14 =	simm.s32 $0x6780  }
.LBB2_1:
0x11: {  	[spmem:s11], [sflag:s6] =	dma.local [hbm:s5], $0x2780  }
0x12: {  	_ =	swait.ge [sflag:s12], $0x2780  }
0x13: {  	[sflag:s12] =	ssyncset.done $0x0  }
0x14: {  	[sflag:s12] =	ssyncadd.s32 $0xFFFFD880  }
0x15: {  	[tilespmem:s4], [sflag:$0x3] =	stream.linear.gather [hbm4b:s7+s4], $0x2710, $0x38;
	[tilespmem:$0x1F380] =	vst v63  }
0x16: {  	_ =	swait.ge [sflag:s12], $0x2710  }
0x17: {  	[sflag:s12] =	ssyncset.done $0x0  }
0x18: {  	[sflag:s12] =	ssyncadd.s32 $0xFFFFD8F0  }
0x19: {  	[tilespmem:s13], [sflag:$0x3] =	stream.linear.gather [hbm4b:s8+s4], $0x3E80, $0x38;
	[tilespmem:$0x1F380] =	vst v63  }
0x1a: {  	_ =	swait.ge [sflag:s12], $0x3E80  }
0x1b: {  	[sflag:s12] =	ssyncset.done $0x0  }
0x1c: {  	[sflag:s12] =	ssyncadd.s32 $0xFFFFC180  }
0x1d: {  	[bflag:$0x0] =	sbarrier.arrive $0xFFFF  }
0x1e: {  	[tilespmem:s14], [sflag:$0x1] =	stream.indirect.gather [hbm4b:s1+s16], $0x80, s4, s16, $0xb8;
	[tilespmem:$0x1F380] =	vst v63  }
0x1f: {  	_ =	swait.ge [sflag:s15], $0x2800  }
0x20: {  	[sflag:s15] =	ssyncset.done $0x0  }
0x21: {  	[sflag:s15] =	ssyncadd.s32 $0xFFFFD800  }
0x22: {  	[spmem:s3] =	stream.indirect.scatter.add.f32 [tilespmem:s14], [sflag:$0x3], $0x80, s13, s16, $0xb8;
	[tilespmem:$0x1F380] =	vst v63  }
0x23: {  	_ =	swait.ge [sflag:s12], $0x2800  }
0x24: {  	[sflag:s12] =	ssyncset.done $0x0  }
0x25: {  	[sflag:s12] =	ssyncadd.s32 $0xFFFFD800  }
0x26: {  	[tilespmem:s14], [sflag:$0x1] =	stream.indirect.gather [hbm4b:s1+s16], $0x80, s16, s16, $0xb8;
	[tilespmem:$0x1F380] =	vst v63  }
0x27: {  	s20 =	simm.s32 $0xA0  }
0x28: {  	[tilespmem:s17], [sflag:$0x2] =	stream.indirect.gather [hbm4b:s1+s16], $0x80, s20, s16, $0xb8;
	[tilespmem:$0x1F380] =	vst v63  }
0x29: {  	_ =	swait.ge [sflag:s15], $0x2800  }
0x2a: {  	[sflag:s15] =	ssyncset.done $0x0  }
0x2b: {  	s30 =	simm.s32 $0x2800;
	[sflag:s15] =	ssyncadd.s32 $0xFFFFD800  }
0x2c: {  	[spmem:s3] =	stream.indirect.scatter.add.f32 [tilespmem:s14], [sflag:$0x3], $0x80, s30, s16, $0xb8;
	[tilespmem:$0x1F380] =	vst v63  }
0x2d: {  	_ =	swait.ge [sflag:s12], $0x2800  }
0x2e: {  	[sflag:s12] =	ssyncset.done $0x0  }
0x2f: {  	[sflag:s12] =	ssyncadd.s32 $0xFFFFD800  }
0x30: {  	_ =	swait.ge [sflag:s18], $0x2800  }
0x31: {  	[sflag:s18] =	ssyncset.done $0x0  }
0x32: {  	s31 =	simm.s32 $0x2880;
	[sflag:s18] =	ssyncadd.s32 $0xFFFFD800  }
0x33: {  	[spmem:s3] =	stream.indirect.scatter.add.f32 [tilespmem:s17], [sflag:$0x3], $0x80, s31, s16, $0xb8;
	[tilespmem:$0x1F380] =	vst v63  }
0x34: {  	_ =	swait.ge [sflag:s12], $0x2800  }
0x35: {  	s21 =	simm.s32 $0x50;
	s20 =	simm.s32 $0xFFFF0C00;
	[sflag:s12] =	ssyncset.done $0x0  }
.LBB2_2:
0x36: {  	p0 =	sne.s32 s20, $0xFFFFFC00;
	[sflag:s12] =	ssyncadd.s32 $0xFFFFD800;
	s21 =	sadd.s32 $0xA0, s21  }
0x37: {  	[tilespmem:s14], [sflag:$0x1] =	stream.indirect.gather [hbm4b:s1+s16], $0x80, s21, s16, $0xb8;
	[tilespmem:$0x1F380] =	vst v63  }
0x38: {  	s23 =	smov.u32 s20;
	s20 =	sadd.s32 $0x400, s20;
	s22 =	sadd.s32 $0x50, s21  }
0x39: {  	[tilespmem:s17], [sflag:$0x2] =	stream.indirect.gather [hbm4b:s1+s16], $0x80, s22, s16, $0xb8;
	[tilespmem:$0x1F380] =	vst v63  }
0x3a: {  	_ =	swait.ge [sflag:s15], $0x2800  }
0x3b: {  	s22 =	sshra.s32 s23, $0x2;
	[sflag:s15] =	ssyncset.done $0x0  }
0x3c: {  	s23 =	sadd.s32 $0x6600, s22;
	[sflag:s15] =	ssyncadd.s32 $0xFFFFD800  }
0x3d: {  	[spmem:s3] =	stream.indirect.scatter.add.f32 [tilespmem:s14], [sflag:$0x3], $0x80, s23, s16, $0xb8;
	[tilespmem:$0x1F380] =	vst v63  }
0x3e: {  	_ =	swait.ge [sflag:s12], $0x2800  }
0x3f: {  	[sflag:s12] =	ssyncset.done $0x0  }
0x40: {  	[sflag:s12] =	ssyncadd.s32 $0xFFFFD800  }
0x41: {  	_ =	swait.ge [sflag:s18], $0x2800  }
.Ltmp0:
0x42: {  	[sflag:s18] =	ssyncset.done $0x0;
	(pc) =	sbr.rel @p0 .LBB2_2-.Ltmp0, $4  }
0x43: {  	s22 =	sadd.s32 $0x6680, s22;
	[sflag:s18] =	ssyncadd.s32 $0xFFFFD800  }
0x44: {  	[spmem:s3] =	stream.indirect.scatter.add.f32 [tilespmem:s17], [sflag:$0x3], $0x80, s22, s16, $0xb8;
	[tilespmem:$0x1F380] =	vst v63  }
0x45: {  	_ =	swait.ge [sflag:s12], $0x2800  }
0x46: {  	[sflag:s12] =	ssyncset.done $0x0  }
0x47: {  	s19 =	sadd.s32 $0x1, s19  }
0x48: {  	[sflag:s12] =	ssyncadd.s32 $0xFFFFD800;
	p0 =	sne.s32 s19, s10  }
.Ltmp1:
0x49: {  	[bflag:$0x0] =	sbarrier.arrive $0xFFFF;
	(pc) =	sbr.rel @p0 .LBB2_1-.Ltmp1, $4  }
0x4a: {  	[hbm:s9], [sflag:s6] =	dma.local [spmem:s11], $0x2780  }
0x4b: {  	_ =	swait.ge [sflag:s12], $0x2780  }
0x4c: {  	[sflag:s12] =	ssyncset.done $0x0  }
0x4d: {  	[sflag:s12] =	ssyncadd.s32 $0xFFFFD880  }
0x4e: {  	_ =	sfence.sel $0x180000  }
0x4f: {  	[bflag:$0x0] =	sbarrier.arrive $0xFFFF  }
0x50: {  	p0 =	sne.s32 s0, $0x0;
	_ =	strace $0x9000004A  }
0x51: {  	s0 =	sadd.s32 @!p0 $0x100000, s2;
	[bflag:$0x2] =	sbarrier.arrive $0xFFFF  }
0x52: {  	[sflag:s0] =	ssyncadd.tile.s32 @!p0 $0x1;
	_ =	shalt  }
.Lfunc_end2:
_tile_overlayer_lowered:
.L_overlay_start_2:
0x53: {  	(tag) =	ssettag $0x2  }
0x54: {  	s0 =	rddreg [dreg:$0x0];
	s2 =	stileid.u32  }
0x55: {  	s1 =	rddreg [dreg:$0x1];
	p0 =	sne.s32 s2, $0x0  }
0x56: {  	s3 =	rddreg [dreg:$0x2];
	[bflag:$0x3] =	sbarrier.arrive $0xFFFF;
	s2 =	simm.s32 @!p0 $0x1C03  }
0x57: {  	[timem:s3], [sflag:s2] =	dma.local @!p0 [hbm:s0], s1  }
0x58: {  	s0 =	simm.s32 @!p0 $0x3  }
0x59: {  	_ =	swait.ge @!p0 [sflag:s0], s1  }
0x5a: {  	s1 =	ssub.s32 @!p0 $0x0, s1;
	[sflag:s0] =	ssyncset.done @!p0 $0x0  }
0x5b: {  	[sflag:s0] =	ssyncadd.s32 @!p0 s1  }
0x5c: {  	[bflag:$0x3] =	sbarrier.arrive $0xFFFF  }
0x5d: {  	_ =	shalt  }

// kernel: kernel.15.cloned.1.call-start
scs
__scs_entry_jumppad:
0x0: {  	(pc) =	sbr.rel $0x88, $3  }
0x1: {  	(tag) =	ssettag $0x0;
	lr =	simm.s32 $0x1  }
0x2: {  	[smem:$0x3F9B] =	sst lr;
	_ =	strace $0xD0000000  }
0x3: {  	_ = 	snop  }
0x4: {  	_ = 	snop  }
0x5: {  	_ = 	snop  }
0x6: {  	_ = 	snop  }
0x7: {  	_ = 	snop  }
__scs_overlays_trampoline_lowered:
0x8: {  	[smem:$0x3FAA] =	sst s0  }
0x9: {  	[smem:$0x3FAB] =	sst s1  }
0xa: {  	[smem:$0x3FAC] =	sst s2  }
0xb: {  	[smem:$0x3FAD] =	sst s3  }
0xc: {  	[smem:$0x3FAE] =	sst s4  }
0xd: {  	[smem:$0x3FAF] =	sst s5  }
0xe: {  	[smem:$0x3FB0] =	sst s6  }
0xf: {  	[smem:$0x3FB1] =	sst s7  }
0x10: {  	[smem:$0x3FB2] =	sst s8  }
0x11: {  	[smem:$0x3FB3] =	sst s9;
	s0 =	simm.s32 @!p0 $0x0  }
0x12: {  	s1 =	sld [smem:$0x3F99];
	s0 =	simm.s32 @p0 $0x1  }
0x13: {  	[smem:$0x3FB4] =	sst s0;
	s0 =	simm.s32 @!p1 $0x0  }
0x14: {  	s2 =	sld [smem:$0x3F98];
	s0 =	simm.s32 @p1 $0x1  }
0x15: {  	[smem:$0x3FB5] =	sst s0;
	s0 =	simm.s32 @!p2 $0x0  }
0x16: {  	s3 =	sld [smem:$0x3FDB];
	s0 =	simm.s32 @p2 $0x1  }
0x17: {  	s4 =	simm.s32 $0x1BF5;
	[smem:$0x3FB7] =	sst s0  }
0x18: {  	s0 =	sld [smem:$0x3F9A];
	_ =	swait.ge [sflag:s4], $0x0  }
0x19: {  	s7 =	sld [smem:$0x3F9B]  }
0x1a: {  	s8 =	sadd.s32 $0xFFFFE003, lr  }
0x1b: {  	s9 =	sadd.s32 $0xFFFFFEF7, lr;
	s5 =	simm.s32 $0xFFFFFFFF;
	p2 =	slt.u32 s8, $0xFFFFF086  }
0x1c: {  	p1 =	slt.u32 s9, $0xF7A;
	s5 =	simm.s32 @!p2 $0x0  }
0x1d: {  	s5 =	simm.s32 @p1 $0x1;
	p0 =	seq.s32 s7, s2  }
0x1e: {  	s7 =	smul.u32 @!p0 $0xF7A, s2;
	p2 =	seq.s32 @!p0 s5, $0x0  }
0x1f: {  	s9 =	smul.u32 $0xF7A, s1;
	s8 =	simm.s32 @!p0 $0x1BF5;
	p2 =	por !p2, p0  }
0x20: {  	[sflag:s8] =	ssyncset.s32 @!p0 $0xFFFFF086;
	s6 =	sadd.s32 @!p0 s3, s7;
	s7 =	simm.s32 @!p0 $0x108  }
0x21: {  	s3 =	sadd.s32 s3, s9;
	s6 =	sadd.s32 @!p0 $0x88, s6;
	s7 =	simm.s32 @p2 $0x1082  }
0x22: {  	[simem:s7], [sflag:s8] =	dma.local @!p0 [hbm:s6], $0xF7A  }
0x23: {  	s9 =	sor.u32 $0xD0000000, s2;
	s6 =	simm.s32 $0x108;
	_ =	swait.ge @!p0 [sflag:s8], $0x0  }
0x24: {  	s3 =	sadd.s32 $0x88, s3;
	s6 =	simm.s32 @!p1 $0x1082;
	[sflag:s4] =	ssyncset.s32 $0xFFFFF086  }
0x25: {  	[simem:s6], [sflag:s4] =	dma.local [hbm:s3], $0xF7A  }
0x26: {  	[smem:$0x3F9B] =	sst s1;
	(tag) =	ssettag s2;
	_ =	strace s9  }
0x27: {  	s1 =	sld [smem:$0x3FAB]  }
0x28: {  	s2 =	sld [smem:$0x3FAC]  }
0x29: {  	s4 =	sld [smem:$0x3FAE]  }
0x2a: {  	p0 =	seq.s32 s5, $0x0;
	s5 =	sld [smem:$0x3FAF]  }
0x2b: {  	s6 =	sld [smem:$0x3FB0]  }
0x2c: {  	s7 =	sld [smem:$0x3FB1]  }
0x2d: {  	s3 =	simm.s32 $0x108;
	s8 =	sld [smem:$0x3FB2]  }
0x2e: {  	s3 =	simm.s32 @!p0 $0x1082;
	s9 =	sld [smem:$0x3FB3]  }
0x2f: {  	lr =	sadd.s32 s0, s3;
	s0 =	sld [smem:$0x3FAA]  }
0x30: {  	s3 =	sld [smem:$0x3FAD]  }
0x31: {  	[smem:$0x3FB6] =	sst s10  }
0x32: {  	s10 =	sld [smem:$0x3FB4];
	_ =	sdelay $0x3  }
0x33: {  	p0 =	seq.s32 s10, $0x1;
	s10 =	sld [smem:$0x3FB6];
	_ =	sdelay $0x3  }
0x34: {  	[smem:$0x3FB6] =	sst s10  }
0x35: {  	s10 =	sld [smem:$0x3FB5];
	_ =	sdelay $0x3  }
0x36: {  	p1 =	seq.s32 s10, $0x1;
	s10 =	sld [smem:$0x3FB6];
	_ =	sdelay $0x3  }
0x37: {  	[smem:$0x3FB6] =	sst s10  }
0x38: {  	s10 =	sld [smem:$0x3FB7]  }
0x39: {  	_ = 	snop;
	(pc) =	sbr.ind lr, $3  }
0x3a: {  	_ = 	snop  }
0x3b: {  	_ = 	snop  }
0x3c: {  	p2 =	seq.s32 s10, $0x1;
	s10 =	sld [smem:$0x3FB6]  }
0x3d: {  	_ =	shalt  }
0x3e: {  	_ =	shalt  }
0x3f: {  	_ =	shalt  }
0x40: {  	_ =	shalt  }
0x41: {  	_ =	shalt  }
0x42: {  	_ =	shalt  }
0x43: {  	_ =	shalt  }
0x44: {  	_ =	shalt  }
0x45: {  	_ =	shalt  }
0x46: {  	_ =	shalt  }
0x47: {  	_ =	shalt  }
0x48: {  	_ =	shalt  }
0x49: {  	_ =	shalt  }
0x4a: {  	_ =	shalt  }
0x4b: {  	_ =	shalt  }
0x4c: {  	_ =	shalt  }
0x4d: {  	_ =	shalt  }
0x4e: {  	_ =	shalt  }
0x4f: {  	_ =	shalt  }
0x50: {  	_ =	shalt  }
0x51: {  	_ =	shalt  }
0x52: {  	_ =	shalt  }
0x53: {  	_ =	shalt  }
0x54: {  	_ =	shalt  }
0x55: {  	_ =	shalt  }
0x56: {  	_ =	shalt  }
0x57: {  	_ =	shalt  }
0x58: {  	_ =	shalt  }
0x59: {  	_ =	shalt  }
0x5a: {  	_ =	shalt  }
0x5b: {  	_ =	shalt  }
0x5c: {  	_ =	shalt  }
0x5d: {  	_ =	shalt  }
0x5e: {  	_ =	shalt  }
0x5f: {  	_ =	shalt  }
0x60: {  	_ =	shalt  }
0x61: {  	_ =	shalt  }
0x62: {  	_ =	shalt  }
0x63: {  	_ =	shalt  }
0x64: {  	_ =	shalt  }
0x65: {  	_ =	shalt  }
0x66: {  	_ =	shalt  }
0x67: {  	_ =	shalt  }
0x68: {  	_ =	shalt  }
0x69: {  	_ =	shalt  }
0x6a: {  	_ =	shalt  }
0x6b: {  	_ =	shalt  }
0x6c: {  	_ =	shalt  }
0x6d: {  	_ =	shalt  }
0x6e: {  	_ =	shalt  }
0x6f: {  	_ =	shalt  }
0x70: {  	_ =	shalt  }
0x71: {  	_ =	shalt  }
0x72: {  	_ =	shalt  }
0x73: {  	_ =	shalt  }
0x74: {  	_ =	shalt  }
0x75: {  	_ =	shalt  }
0x76: {  	_ =	shalt  }
0x77: {  	_ =	shalt  }
0x78: {  	_ =	shalt  }
0x79: {  	_ =	shalt  }
0x7a: {  	_ =	shalt  }
0x7b: {  	_ =	shalt  }
0x7c: {  	_ =	shalt  }
0x7d: {  	_ =	shalt  }
0x7e: {  	_ =	shalt  }
0x7f: {  	_ =	shalt  }
0x80: {  	_ =	shalt  }
0x81: {  	_ =	shalt  }
0x82: {  	_ =	shalt  }
0x83: {  	_ =	shalt  }
0x84: {  	_ =	shalt  }
0x85: {  	_ =	shalt  }
0x86: {  	_ =	shalt  }
0x87: {  	_ =	shalt  }
.Lfunc_end0:
.L_simem_size_0:
called_computation.2_lowered:
.L_overlay_start_0:
0x88: {  	s2 =	sld [smem:$0x3FD9]  }
0x89: {  	s3 =	sld [smem:$0x3FFE];
	_ =	sdelay $0x1  }
0x8a: {  	s1 =	srdreg.scid  }
0x8b: {  	s0 =	sand.u32 $0x1, s1  }
0x8c: {  	s17 =	sshll.u32 s0, $0xA;
	s2 =	sadd.s32 s3, s2  }
0x8d: {  	s2 =	sadd.s32 s2, s17  }
0x8e: {  	[smem:$0x3FC2] =	sst s2  }
0x8f: {  	_ = 	snop  }
0x90: {  	s2 =	sld [smem:$0x3FD0];
	(tm) =	ssettm $0x1  }
0x91: {  	s18 =	sld [smem:$0x3FFB];
	_ =	sdelay $0x3  }
0x92: {  	_ =	strace s18  }
0x93: {  	s3 =	sld [smem:$0x3FFC];
	_ =	sdelay $0x3  }
0x94: {  	_ =	strace s3  }
0x95: {  	s3 =	sld [smem:$0x3FFD];
	_ =	sdelay $0x3  }
0x96: {  	_ =	strace s3  }
0x97: {  	_ =	strace $0x8FFFFFFF  }
0x98: {  	s19 =	sld [smem:$0x3FDB];
	_ =	sdelay $0x1  }
0x99: {  	s4 =	simm.s32 $_scs_section_size  }
0x9a: {  	s5 =	simm.s32 $_size__tile_overlayer_lowered;
	s6 =	simm.s32 $_tile_overlayer_lowered  }
0x9b: {  	s22 =	simm.s32 $0x1BFF;
	s21 =	sshll.u32 s6, $0x1;
	s3 =	sadd.s32 s4, s19  }
0x9c: {  	s7 =	simm.s32 $0x0;
	s20 =	sshll.u32 s5, $0x1;
	s5 =	sadd.s32 s21, s3  }
0x9d: {  	[timem:s7], [sflag:s22] =	dma.local [hbm:s5], s20  }
0x9e: {  	_ =	swait.ge [sflag:s22], s20  }
0x9f: {  	s4 =	ssub.s32 $0x0, s20;
	[sflag:s22] =	ssyncset.done $0x0  }
0xa0: {  	[sflag:s22] =	ssyncadd.s32 s4;
	_ =	sdelay $0x1  }
0xa1: {  	s23 =	simm.s32 $0x1B8B  }
0xa2: {  	_ =	swait.ge [sflag:s23], $0x1  }
0xa3: {  	[sflag:s23] =	ssyncset.done $0x0  }
0xa4: {  	s25 =	simm.s32 $0x1B8E;
	s24 =	sld [smem:$0x3FFE];
	[sflag:s23] =	ssyncadd.s32 $0xFFFFFFFF  }
0xa5: {  	s26 =	simm.s32 $execute0_lowered;
	[smem:$0x3FD2] =	sst s25  }
0xa6: {  	s5 =	sshll.u32 s26, $0x1;
	_ =	strace $0x8000004C;
	[dreg:$0x1] =	wrdreg $0xFFFFFFFF  }
0xa7: {  	s28 =	simm.s32 $_size_execute0_lowered;
	s3 =	sadd.s32 s3, s5;
	[dreg:$0x0] =	wrdreg $0x0  }
0xa8: {  	s5 =	sshll.u32 s28, $0x1;
	[dreg:$0x2] =	wrdreg s3  }
0xa9: {  	[dreg:$0x3] =	wrdreg s5  }
0xaa: {  	[dreg:$0x4] =	wrdreg $0xC0  }
0xab: {  	_ =	task [dreg:s7], $0x5FFFF  }
0xac: {  	[dreg:$0x1] =	wrdreg $0xFFFFFFFF  }
0xad: {  	[dreg:$0x0] =	wrdreg $0x60  }
0xae: {  	[dreg:$0x2] =	wrdreg s2  }
0xaf: {  	[dreg:$0x3] =	wrdreg s24  }
0xb0: {  	[dreg:$0x4] =	wrdreg $0xB7800  }
0xb1: {  	[dreg:$0x5] =	wrdreg $0x9  }
0xb2: {  	_ =	task.clear_ibuf [dreg:s7], $0x6FFFF;
	_ =	strace $0x9000004C  }
0xb3: {  	s29 =	simm.s32 $0x9;
	_ =	strace $0x8000004E  }
0xb4: {  	_ =	swait.ge [sflag:s29], $0x1  }
0xb5: {  	[sflag:s29] =	ssyncadd.s32 $0xFFFFFFFF  }
0xb6: {  	_ =	strace $0x9000004E  }
0xb7: {  	_ =	sfence  }
0xb8: {  	s30 =	sld [smem:$0x0];
	_ =	sdelay $0x2  }
0xb9: {  	s31 =	sshll.u32 s1, $0xD;
	s1 =	sshrl.u32 s1, $0x2  }
0xba: {  	s3 =	sand.u32 $0x4000, s31;
	s1 =	sadd.s32 s1, s30  }
0xbb: {  	s0 =	sor.u32 s3, s0;
	s1 =	sshll.u32 s1, $0x11  }
0xbc: {  	s0 =	sor.u32 s1, s0  }
0xbd: {  	s0 =	sadd.s32 $0x8F2B, s0  }
0xbe: {  	[sflag:s0] =	ssyncadd.remote.s32 $0x1  }
0xbf: {  	_ =	sfence.sel $0xFFFF  }
0xc0: {  	[dreg:$0x0] =	wrdreg $0xFFFFFFFF;
	(pc) =	sbr.abs _section_cstart, $3  }
0xc1: {  	[dreg:$0x1] =	wrdreg $0xFFFFFFFF  }
0xc2: {  	_ =	task.clear_ibuf [dreg:s7], $0x2FFFF;
	_ =	strace $0x9FFFFFFF  }
0xc3: {  	(tm) =	ssettm $0x7FFFFFFF  }
tec
execute0_lowered:
.L_overlay_start_1:
0x0: {  	(tag) =	ssettag $0x1  }
0x1: {  	s1 =	rddreg [dreg:$0x0]  }
0x2: {  	s6 =	rddreg [dreg:$0x1]  }
0x3: {  	s0 =	srdreg.scid;
	s3 =	rddreg [dreg:$0x2]  }
0x4: {  	s4 =	simm.s32 $0x0;
	s15 =	simm.s32 $0x1;
	s16 =	simm.s32 $0x50  }
0x5: {  	s17 =	simm.s32 $0x8F80;
	s18 =	simm.s32 $0x2;
	s5 =	sand.u32 $0x1, s0  }
0x6: {  	s19 =	simm.s32 $0x0;
	s0 =	stileid.u32;
	s9 =	smul.u32 $0x13C000, s5  }
0x7: {  	[smem:$0x7FF] =	sst s4;
	s2 =	sshll.u32 s5, $0x4;
	s10 =	smul.u32 $0x13C00, s0  }
0x8: {  	s26 =	ssub.s32 $0x2, s5;
	s28 =	smul.u32 $0x4F000, s0;
	s5 =	sadd.s32 $0x2000, s6  }
0x9: {  	s31 =	sshll.u32 s0, $0x6;
	s7 =	sor.u32 s0, s2;
	s2 =	rddreg [dreg:$0x3]  }
0xa: {  	_ =	strace $0x8000004D;
	s29 =	sshrl.u32 s26, $0x1;
	s8 =	smul.u32 $0x4E2, s7  }
0xb: {  	s7 =	sshll.u32 s7, $0xB;
	s25 =	sadd.s32 s10, s9;
	s13 =	ssub.s32 s26, s29  }
0xc: {  	s30 =	sshrl.u32 s28, $0x2;
	s11 =	sadd.s32 s7, s6;
	s7 =	sshrl.u32 s25, $0x3  }
0xd: {  	s14 =	sadd.s32 s30, s3;
	s10 =	smax.u32 s13, $0x1;
	s13 =	simm.s32 $0x2780  }
0xe: {  	s8 =	sadd.s32 s8, s6;
	s12 =	sadd.s32 s7, s6;
	s6 =	sor.u32 $0x1C03, s31  }
0xf: {  	s7 =	sadd.s32 $0xBE00, s8;
	s8 =	sadd.s32 $0x16200, s11;
	s9 =	sadd.s32 $0x26200, s12  }
0x10: {  	s11 =	sshrl.u32 s14, $0x3;
	s12 =	simm.s32 $0x3;
	s14 =	simm.s32 $0x6780  }
.LBB2_1:
0x11: {  	[spmem:s11], [sflag:s6] =	dma.local [hbm:s5], $0x2780  }
0x12: {  	_ =	swait.ge [sflag:s12], $0x2780  }
0x13: {  	[sflag:s12] =	ssyncset.done $0x0  }
0x14: {  	[sflag:s12] =	ssyncadd.s32 $0xFFFFD880  }
0x15: {  	[tilespmem:s4], [sflag:$0x3] =	stream.linear.gather [hbm4b:s7+s4], $0x2710, $0x38;
	[tilespmem:$0x1F380] =	vst v63  }
0x16: {  	_ =	swait.ge [sflag:s12], $0x2710  }
0x17: {  	[sflag:s12] =	ssyncset.done $0x0  }
0x18: {  	[sflag:s12] =	ssyncadd.s32 $0xFFFFD8F0  }
0x19: {  	[tilespmem:s13], [sflag:$0x3] =	stream.linear.gather [hbm4b:s8+s4], $0x3E80, $0x38;
	[tilespmem:$0x1F380] =	vst v63  }
0x1a: {  	_ =	swait.ge [sflag:s12], $0x3E80  }
0x1b: {  	[sflag:s12] =	ssyncset.done $0x0  }
0x1c: {  	[sflag:s12] =	ssyncadd.s32 $0xFFFFC180  }
0x1d: {  	[bflag:$0x0] =	sbarrier.arrive $0xFFFF  }
0x1e: {  	[tilespmem:s14], [sflag:$0x1] =	stream.indirect.gather [hbm4b:s1+s16], $0x80, s4, s16, $0xb8;
	[tilespmem:$0x1F380] =	vst v63  }
0x1f: {  	_ =	swait.ge [sflag:s15], $0x2800  }
0x20: {  	[sflag:s15] =	ssyncset.done $0x0  }
0x21: {  	[sflag:s15] =	ssyncadd.s32 $0xFFFFD800  }
0x22: {  	[spmem:s3] =	stream.indirect.scatter.add.f32 [tilespmem:s14], [sflag:$0x3], $0x80, s13, s16, $0xb8;
	[tilespmem:$0x1F380] =	vst v63  }
0x23: {  	_ =	swait.ge [sflag:s12], $0x2800  }
0x24: {  	[sflag:s12] =	ssyncset.done $0x0  }
0x25: {  	[sflag:s12] =	ssyncadd.s32 $0xFFFFD800  }
0x26: {  	[tilespmem:s14], [sflag:$0x1] =	stream.indirect.gather [hbm4b:s1+s16], $0x80, s16, s16, $0xb8;
	[tilespmem:$0x1F380] =	vst v63  }
0x27: {  	s20 =	simm.s32 $0xA0  }
0x28: {  	[tilespmem:s17], [sflag:$0x2] =	stream.indirect.gather [hbm4b:s1+s16], $0x80, s20, s16, $0xb8;
	[tilespmem:$0x1F380] =	vst v63  }
0x29: {  	_ =	swait.ge [sflag:s15], $0x2800  }
0x2a: {  	[sflag:s15] =	ssyncset.done $0x0  }
0x2b: {  	s30 =	simm.s32 $0x2800;
	[sflag:s15] =	ssyncadd.s32 $0xFFFFD800  }
0x2c: {  	[spmem:s3] =	stream.indirect.scatter.add.f32 [tilespmem:s14], [sflag:$0x3], $0x80, s30, s16, $0xb8;
	[tilespmem:$0x1F380] =	vst v63  }
0x2d: {  	_ =	swait.ge [sflag:s12], $0x2800  }
0x2e: {  	[sflag:s12] =	ssyncset.done $0x0  }
0x2f: {  	[sflag:s12] =	ssyncadd.s32 $0xFFFFD800  }
0x30: {  	_ =	swait.ge [sflag:s18], $0x2800  }
0x31: {  	[sflag:s18] =	ssyncset.done $0x0  }
0x32: {  	s31 =	simm.s32 $0x2880;
	[sflag:s18] =	ssyncadd.s32 $0xFFFFD800  }
0x33: {  	[spmem:s3] =	stream.indirect.scatter.add.f32 [tilespmem:s17], [sflag:$0x3], $0x80, s31, s16, $0xb8;
	[tilespmem:$0x1F380] =	vst v63  }
0x34: {  	_ =	swait.ge [sflag:s12], $0x2800  }
0x35: {  	s21 =	simm.s32 $0x50;
	s20 =	simm.s32 $0xFFFF0C00;
	[sflag:s12] =	ssyncset.done $0x0  }
.LBB2_2:
0x36: {  	p0 =	sne.s32 s20, $0xFFFFFC00;
	[sflag:s12] =	ssyncadd.s32 $0xFFFFD800;
	s21 =	sadd.s32 $0xA0, s21  }
0x37: {  	[tilespmem:s14], [sflag:$0x1] =	stream.indirect.gather [hbm4b:s1+s16], $0x80, s21, s16, $0xb8;
	[tilespmem:$0x1F380] =	vst v63  }
0x38: {  	s23 =	smov.u32 s20;
	s20 =	sadd.s32 $0x400, s20;
	s22 =	sadd.s32 $0x50, s21  }
0x39: {  	[tilespmem:s17], [sflag:$0x2] =	stream.indirect.gather [hbm4b:s1+s16], $0x80, s22, s16, $0xb8;
	[tilespmem:$0x1F380] =	vst v63  }
0x3a: {  	_ =	swait.ge [sflag:s15], $0x2800  }
0x3b: {  	s22 =	sshra.s32 s23, $0x2;
	[sflag:s15] =	ssyncset.done $0x0  }
0x3c: {  	s23 =	sadd.s32 $0x6600, s22;
	[sflag:s15] =	ssyncadd.s32 $0xFFFFD800  }
0x3d: {  	[spmem:s3] =	stream.indirect.scatter.add.f32 [tilespmem:s14], [sflag:$0x3], $0x80, s23, s16, $0xb8;
	[tilespmem:$0x1F380] =	vst v63  }
0x3e: {  	_ =	swait.ge [sflag:s12], $0x2800  }
0x3f: {  	[sflag:s12] =	ssyncset.done $0x0  }
0x40: {  	[sflag:s12] =	ssyncadd.s32 $0xFFFFD800  }
0x41: {  	_ =	swait.ge [sflag:s18], $0x2800  }
.Ltmp0:
0x42: {  	[sflag:s18] =	ssyncset.done $0x0;
	(pc) =	sbr.rel @p0 .LBB2_2-.Ltmp0, $4  }
0x43: {  	s22 =	sadd.s32 $0x6680, s22;
	[sflag:s18] =	ssyncadd.s32 $0xFFFFD800  }
0x44: {  	[spmem:s3] =	stream.indirect.scatter.add.f32 [tilespmem:s17], [sflag:$0x3], $0x80, s22, s16, $0xb8;
	[tilespmem:$0x1F380] =	vst v63  }
0x45: {  	_ =	swait.ge [sflag:s12], $0x2800  }
0x46: {  	[sflag:s12] =	ssyncset.done $0x0  }
0x47: {  	s19 =	sadd.s32 $0x1, s19  }
0x48: {  	[sflag:s12] =	ssyncadd.s32 $0xFFFFD800;
	p0 =	sne.s32 s19, s10  }
.Ltmp1:
0x49: {  	[bflag:$0x0] =	sbarrier.arrive $0xFFFF;
	(pc) =	sbr.rel @p0 .LBB2_1-.Ltmp1, $4  }
0x4a: {  	[hbm:s9], [sflag:s6] =	dma.local [spmem:s11], $0x2780  }
0x4b: {  	_ =	swait.ge [sflag:s12], $0x2780  }
0x4c: {  	[sflag:s12] =	ssyncset.done $0x0  }
0x4d: {  	[sflag:s12] =	ssyncadd.s32 $0xFFFFD880  }
0x4e: {  	_ =	sfence.sel $0x180000  }
0x4f: {  	[bflag:$0x0] =	sbarrier.arrive $0xFFFF  }
0x50: {  	p0 =	sne.s32 s0, $0x0;
	_ =	strace $0x9000004D  }
0x51: {  	s0 =	sadd.s32 @!p0 $0x100000, s2;
	[bflag:$0x2] =	sbarrier.arrive $0xFFFF  }
0x52: {  	[sflag:s0] =	ssyncadd.tile.s32 @!p0 $0x1;
	_ =	shalt  }
.Lfunc_end2:
_tile_overlayer_lowered:
.L_overlay_start_2:
0x53: {  	(tag) =	ssettag $0x2  }
0x54: {  	s0 =	rddreg [dreg:$0x0];
	s2 =	stileid.u32  }
0x55: {  	s1 =	rddreg [dreg:$0x1];
	p0 =	sne.s32 s2, $0x0  }
0x56: {  	s3 =	rddreg [dreg:$0x2];
	[bflag:$0x3] =	sbarrier.arrive $0xFFFF;
	s2 =	simm.s32 @!p0 $0x1C03  }
0x57: {  	[timem:s3], [sflag:s2] =	dma.local @!p0 [hbm:s0], s1  }
0x58: {  	s0 =	simm.s32 @!p0 $0x3  }
0x59: {  	_ =	swait.ge @!p0 [sflag:s0], s1  }
0x5a: {  	s1 =	ssub.s32 @!p0 $0x0, s1;
	[sflag:s0] =	ssyncset.done @!p0 $0x0  }
0x5b: {  	[sflag:s0] =	ssyncadd.s32 @!p0 s1  }
0x5c: {  	[bflag:$0x3] =	sbarrier.arrive $0xFFFF  }
0x5d: {  	_ =	shalt  }

// kernel: kernel.9.cloned.1.call-start
scs
__scs_entry_jumppad:
0x0: {  	(pc) =	sbr.rel $0x88, $3  }
0x1: {  	(tag) =	ssettag $0x0;
	lr =	simm.s32 $0x1  }
0x2: {  	[smem:$0x3F9B] =	sst lr;
	_ =	strace $0xD0000000  }
0x3: {  	_ = 	snop  }
0x4: {  	_ = 	snop  }
0x5: {  	_ = 	snop  }
0x6: {  	_ = 	snop  }
0x7: {  	_ = 	snop  }
__scs_overlays_trampoline_lowered:
0x8: {  	[smem:$0x3FAA] =	sst s0  }
0x9: {  	[smem:$0x3FAB] =	sst s1  }
0xa: {  	[smem:$0x3FAC] =	sst s2  }
0xb: {  	[smem:$0x3FAD] =	sst s3  }
0xc: {  	[smem:$0x3FAE] =	sst s4  }
0xd: {  	[smem:$0x3FAF] =	sst s5  }
0xe: {  	[smem:$0x3FB0] =	sst s6  }
0xf: {  	[smem:$0x3FB1] =	sst s7  }
0x10: {  	[smem:$0x3FB2] =	sst s8  }
0x11: {  	[smem:$0x3FB3] =	sst s9;
	s0 =	simm.s32 @!p0 $0x0  }
0x12: {  	s1 =	sld [smem:$0x3F99];
	s0 =	simm.s32 @p0 $0x1  }
0x13: {  	[smem:$0x3FB4] =	sst s0;
	s0 =	simm.s32 @!p1 $0x0  }
0x14: {  	s2 =	sld [smem:$0x3F98];
	s0 =	simm.s32 @p1 $0x1  }
0x15: {  	[smem:$0x3FB5] =	sst s0;
	s0 =	simm.s32 @!p2 $0x0  }
0x16: {  	s3 =	sld [smem:$0x3FDB];
	s0 =	simm.s32 @p2 $0x1  }
0x17: {  	s4 =	simm.s32 $0x1BF5;
	[smem:$0x3FB7] =	sst s0  }
0x18: {  	s0 =	sld [smem:$0x3F9A];
	_ =	swait.ge [sflag:s4], $0x0  }
0x19: {  	s7 =	sld [smem:$0x3F9B]  }
0x1a: {  	s8 =	sadd.s32 $0xFFFFE003, lr  }
0x1b: {  	s9 =	sadd.s32 $0xFFFFFEF7, lr;
	s5 =	simm.s32 $0xFFFFFFFF;
	p2 =	slt.u32 s8, $0xFFFFF086  }
0x1c: {  	p1 =	slt.u32 s9, $0xF7A;
	s5 =	simm.s32 @!p2 $0x0  }
0x1d: {  	s5 =	simm.s32 @p1 $0x1;
	p0 =	seq.s32 s7, s2  }
0x1e: {  	s7 =	smul.u32 @!p0 $0xF7A, s2;
	p2 =	seq.s32 @!p0 s5, $0x0  }
0x1f: {  	s9 =	smul.u32 $0xF7A, s1;
	s8 =	simm.s32 @!p0 $0x1BF5;
	p2 =	por !p2, p0  }
0x20: {  	[sflag:s8] =	ssyncset.s32 @!p0 $0xFFFFF086;
	s6 =	sadd.s32 @!p0 s3, s7;
	s7 =	simm.s32 @!p0 $0x108  }
0x21: {  	s3 =	sadd.s32 s3, s9;
	s6 =	sadd.s32 @!p0 $0x88, s6;
	s7 =	simm.s32 @p2 $0x1082  }
0x22: {  	[simem:s7], [sflag:s8] =	dma.local @!p0 [hbm:s6], $0xF7A  }
0x23: {  	s9 =	sor.u32 $0xD0000000, s2;
	s6 =	simm.s32 $0x108;
	_ =	swait.ge @!p0 [sflag:s8], $0x0  }
0x24: {  	s3 =	sadd.s32 $0x88, s3;
	s6 =	simm.s32 @!p1 $0x1082;
	[sflag:s4] =	ssyncset.s32 $0xFFFFF086  }
0x25: {  	[simem:s6], [sflag:s4] =	dma.local [hbm:s3], $0xF7A  }
0x26: {  	[smem:$0x3F9B] =	sst s1;
	(tag) =	ssettag s2;
	_ =	strace s9  }
0x27: {  	s1 =	sld [smem:$0x3FAB]  }
0x28: {  	s2 =	sld [smem:$0x3FAC]  }
0x29: {  	s4 =	sld [smem:$0x3FAE]  }
0x2a: {  	p0 =	seq.s32 s5, $0x0;
	s5 =	sld [smem:$0x3FAF]  }
0x2b: {  	s6 =	sld [smem:$0x3FB0]  }
0x2c: {  	s7 =	sld [smem:$0x3FB1]  }
0x2d: {  	s3 =	simm.s32 $0x108;
	s8 =	sld [smem:$0x3FB2]  }
0x2e: {  	s3 =	simm.s32 @!p0 $0x1082;
	s9 =	sld [smem:$0x3FB3]  }
0x2f: {  	lr =	sadd.s32 s0, s3;
	s0 =	sld [smem:$0x3FAA]  }
0x30: {  	s3 =	sld [smem:$0x3FAD]  }
0x31: {  	[smem:$0x3FB6] =	sst s10  }
0x32: {  	s10 =	sld [smem:$0x3FB4];
	_ =	sdelay $0x3  }
0x33: {  	p0 =	seq.s32 s10, $0x1;
	s10 =	sld [smem:$0x3FB6];
	_ =	sdelay $0x3  }
0x34: {  	[smem:$0x3FB6] =	sst s10  }
0x35: {  	s10 =	sld [smem:$0x3FB5];
	_ =	sdelay $0x3  }
0x36: {  	p1 =	seq.s32 s10, $0x1;
	s10 =	sld [smem:$0x3FB6];
	_ =	sdelay $0x3  }
0x37: {  	[smem:$0x3FB6] =	sst s10  }
0x38: {  	s10 =	sld [smem:$0x3FB7]  }
0x39: {  	_ = 	snop;
	(pc) =	sbr.ind lr, $3  }
0x3a: {  	_ = 	snop  }
0x3b: {  	_ = 	snop  }
0x3c: {  	p2 =	seq.s32 s10, $0x1;
	s10 =	sld [smem:$0x3FB6]  }
0x3d: {  	_ =	shalt  }
0x3e: {  	_ =	shalt  }
0x3f: {  	_ =	shalt  }
0x40: {  	_ =	shalt  }
0x41: {  	_ =	shalt  }
0x42: {  	_ =	shalt  }
0x43: {  	_ =	shalt  }
0x44: {  	_ =	shalt  }
0x45: {  	_ =	shalt  }
0x46: {  	_ =	shalt  }
0x47: {  	_ =	shalt  }
0x48: {  	_ =	shalt  }
0x49: {  	_ =	shalt  }
0x4a: {  	_ =	shalt  }
0x4b: {  	_ =	shalt  }
0x4c: {  	_ =	shalt  }
0x4d: {  	_ =	shalt  }
0x4e: {  	_ =	shalt  }
0x4f: {  	_ =	shalt  }
0x50: {  	_ =	shalt  }
0x51: {  	_ =	shalt  }
0x52: {  	_ =	shalt  }
0x53: {  	_ =	shalt  }
0x54: {  	_ =	shalt  }
0x55: {  	_ =	shalt  }
0x56: {  	_ =	shalt  }
0x57: {  	_ =	shalt  }
0x58: {  	_ =	shalt  }
0x59: {  	_ =	shalt  }
0x5a: {  	_ =	shalt  }
0x5b: {  	_ =	shalt  }
0x5c: {  	_ =	shalt  }
0x5d: {  	_ =	shalt  }
0x5e: {  	_ =	shalt  }
0x5f: {  	_ =	shalt  }
0x60: {  	_ =	shalt  }
0x61: {  	_ =	shalt  }
0x62: {  	_ =	shalt  }
0x63: {  	_ =	shalt  }
0x64: {  	_ =	shalt  }
0x65: {  	_ =	shalt  }
0x66: {  	_ =	shalt  }
0x67: {  	_ =	shalt  }
0x68: {  	_ =	shalt  }
0x69: {  	_ =	shalt  }
0x6a: {  	_ =	shalt  }
0x6b: {  	_ =	shalt  }
0x6c: {  	_ =	shalt  }
0x6d: {  	_ =	shalt  }
0x6e: {  	_ =	shalt  }
0x6f: {  	_ =	shalt  }
0x70: {  	_ =	shalt  }
0x71: {  	_ =	shalt  }
0x72: {  	_ =	shalt  }
0x73: {  	_ =	shalt  }
0x74: {  	_ =	shalt  }
0x75: {  	_ =	shalt  }
0x76: {  	_ =	shalt  }
0x77: {  	_ =	shalt  }
0x78: {  	_ =	shalt  }
0x79: {  	_ =	shalt  }
0x7a: {  	_ =	shalt  }
0x7b: {  	_ =	shalt  }
0x7c: {  	_ =	shalt  }
0x7d: {  	_ =	shalt  }
0x7e: {  	_ =	shalt  }
0x7f: {  	_ =	shalt  }
0x80: {  	_ =	shalt  }
0x81: {  	_ =	shalt  }
0x82: {  	_ =	shalt  }
0x83: {  	_ =	shalt  }
0x84: {  	_ =	shalt  }
0x85: {  	_ =	shalt  }
0x86: {  	_ =	shalt  }
0x87: {  	_ =	shalt  }
.Lfunc_end0:
.L_simem_size_0:
called_computation_lowered:
.L_overlay_start_0:
0x88: {  	s2 =	sld [smem:$0x3FD9]  }
0x89: {  	s3 =	sld [smem:$0x3FFE];
	_ =	sdelay $0x1  }
0x8a: {  	s1 =	srdreg.scid  }
0x8b: {  	s0 =	sand.u32 $0x1, s1  }
0x8c: {  	s17 =	sshll.u32 s0, $0xA;
	s2 =	sadd.s32 s3, s2  }
0x8d: {  	s2 =	sadd.s32 s2, s17  }
0x8e: {  	[smem:$0x3FC2] =	sst s2  }
0x8f: {  	_ = 	snop  }
0x90: {  	s2 =	sld [smem:$0x3FD0];
	(tm) =	ssettm $0x1  }
0x91: {  	s18 =	sld [smem:$0x3FFB];
	_ =	sdelay $0x3  }
0x92: {  	_ =	strace s18  }
0x93: {  	s3 =	sld [smem:$0x3FFC];
	_ =	sdelay $0x3  }
0x94: {  	_ =	strace s3  }
0x95: {  	s3 =	sld [smem:$0x3FFD];
	_ =	sdelay $0x3  }
0x96: {  	_ =	strace s3  }
0x97: {  	_ =	strace $0x8FFFFFFF  }
0x98: {  	s19 =	sld [smem:$0x3FDB];
	_ =	sdelay $0x1  }
0x99: {  	s4 =	simm.s32 $_scs_section_size  }
0x9a: {  	s5 =	simm.s32 $_size__tile_overlayer_lowered;
	s6 =	simm.s32 $_tile_overlayer_lowered  }
0x9b: {  	s22 =	simm.s32 $0x1BFF;
	s21 =	sshll.u32 s6, $0x1;
	s3 =	sadd.s32 s4, s19  }
0x9c: {  	s7 =	simm.s32 $0x0;
	s20 =	sshll.u32 s5, $0x1;
	s5 =	sadd.s32 s21, s3  }
0x9d: {  	[timem:s7], [sflag:s22] =	dma.local [hbm:s5], s20  }
0x9e: {  	_ =	swait.ge [sflag:s22], s20  }
0x9f: {  	s4 =	ssub.s32 $0x0, s20;
	[sflag:s22] =	ssyncset.done $0x0  }
0xa0: {  	[sflag:s22] =	ssyncadd.s32 s4;
	_ =	sdelay $0x1  }
0xa1: {  	s23 =	simm.s32 $0x1B8B  }
0xa2: {  	_ =	swait.ge [sflag:s23], $0x1  }
0xa3: {  	[sflag:s23] =	ssyncset.done $0x0  }
0xa4: {  	s25 =	simm.s32 $0x1B8E;
	s24 =	sld [smem:$0x3FFE];
	[sflag:s23] =	ssyncadd.s32 $0xFFFFFFFF  }
0xa5: {  	s26 =	simm.s32 $execute0_lowered;
	[smem:$0x3FD2] =	sst s25  }
0xa6: {  	s5 =	sshll.u32 s26, $0x1;
	_ =	strace $0x80000046;
	[dreg:$0x1] =	wrdreg $0xFFFFFFFF  }
0xa7: {  	s28 =	simm.s32 $_size_execute0_lowered;
	s3 =	sadd.s32 s3, s5;
	[dreg:$0x0] =	wrdreg $0x0  }
0xa8: {  	s5 =	sshll.u32 s28, $0x1;
	[dreg:$0x2] =	wrdreg s3  }
0xa9: {  	[dreg:$0x3] =	wrdreg s5  }
0xaa: {  	[dreg:$0x4] =	wrdreg $0xC0  }
0xab: {  	_ =	task [dreg:s7], $0x5FFFF  }
0xac: {  	[dreg:$0x1] =	wrdreg $0xFFFFFFFF  }
0xad: {  	[dreg:$0x0] =	wrdreg $0x60  }
0xae: {  	[dreg:$0x2] =	wrdreg s24  }
0xaf: {  	[dreg:$0x3] =	wrdreg s2  }
0xb0: {  	[dreg:$0x4] =	wrdreg $0x9  }
0xb1: {  	_ =	task.clear_ibuf [dreg:s7], $0x5FFFF;
	_ =	strace $0x90000046  }
0xb2: {  	s29 =	simm.s32 $0x9;
	_ =	strace $0x80000048  }
0xb3: {  	_ =	swait.ge [sflag:s29], $0x1  }
0xb4: {  	[sflag:s29] =	ssyncadd.s32 $0xFFFFFFFF  }
0xb5: {  	_ =	strace $0x90000048  }
0xb6: {  	_ =	sfence  }
0xb7: {  	s30 =	sld [smem:$0x0];
	_ =	sdelay $0x2  }
0xb8: {  	s31 =	sshll.u32 s1, $0xD;
	s1 =	sshrl.u32 s1, $0x2  }
0xb9: {  	s3 =	sand.u32 $0x4000, s31;
	s1 =	sadd.s32 s1, s30  }
0xba: {  	s0 =	sor.u32 s3, s0;
	s1 =	sshll.u32 s1, $0x11  }
0xbb: {  	s0 =	sor.u32 s1, s0  }
0xbc: {  	s0 =	sadd.s32 $0x8F2B, s0  }
0xbd: {  	[sflag:s0] =	ssyncadd.remote.s32 $0x1  }
0xbe: {  	_ =	sfence.sel $0xFFFF  }
0xbf: {  	[dreg:$0x0] =	wrdreg $0xFFFFFFFF;
	(pc) =	sbr.abs _section_cstart, $3  }
0xc0: {  	[dreg:$0x1] =	wrdreg $0xFFFFFFFF  }
0xc1: {  	_ =	task.clear_ibuf [dreg:s7], $0x2FFFF;
	_ =	strace $0x9FFFFFFF  }
0xc2: {  	(tm) =	ssettm $0x7FFFFFFF  }
0xc3: {  	_ =	shalt  }
tec
execute0_lowered:
.L_overlay_start_1:
0x0: {  	(tag) =	ssettag $0x1  }
0x1: {  	s0 =	srdreg.scid;
	s3 =	rddreg [dreg:$0x0]  }
0x2: {  	s5 =	rddreg [dreg:$0x1];
	s1 =	stileid.u32  }
0x3: {  	s9 =	simm.s32 $0x80;
	s10 =	simm.s32 $0x400;
	s4 =	sand.u32 $0x1, s0  }
0x4: {  	s11 =	simm.s32 $0x0;
	s8 =	sshll.u32 s1, $0x7;
	s2 =	sshll.u32 s4, $0x4  }
0x5: {  	s0 =	rddreg [dreg:$0x2];
	s8 =	sand.u32 $0x380, s8;
	s6 =	sor.u32 s1, s2  }
0x6: {  	s2 =	simm.s32 $0x0;
	s7 =	smul.u32 $0x4E2, s6;
	s6 =	sshrl.u32 s6, $0x3  }
0x7: {  	s4 =	ssub.s32 $0x2, s4;
	[smem:$0x7FF] =	sst s2;
	s6 =	smul.u32 $0x13C00, s6  }
0x8: {  	s31 =	sshrl.u32 s4, $0x1;
	_ =	strace $0x80000047;
	s7 =	sadd.s32 s7, s3  }
0x9: {  	s3 =	sadd.s32 $0x15C00, s3;
	s6 =	sor.u32 s8, s6;
	s8 =	ssub.s32 s4, s31  }
0xa: {  	s4 =	sadd.s32 $0x2000, s7;
	s7 =	simm.s32 $0x2780;
	s6 =	sshrl.u32 s6, $0x3  }
0xb: {  	v0 =	vimm.f32 $1.000000000e+00;
	s5 =	sadd.s32 s5, s6;
	s6 =	smax.u32 s8, $0x1;
	s8 =	simm.s32 $0x1  }
.LBB2_1:
0xc: {  	[tilespmem:s7], [sflag:$0x1] =	stream.linear.gather [hbm4b:s3+s2], $0x2780, $0x38;
	[tilespmem:$0x4F00] =	vst v63  }
0xd: {  	_ =	swait.ge [sflag:s8], $0x2780  }
0xe: {  	[sflag:s8] =	ssyncset.done $0x0  }
0xf: {  	[sflag:s8] =	ssyncadd.s32 $0xFFFFD880  }
0x10: {  	[tilespmem:s2], [sflag:$0x1] =	stream.linear.gather [hbm4b:s4+s2], $0x2710, $0x38;
	[tilespmem:$0x4F00] =	vst v63  }
0x11: {  	_ =	swait.ge [sflag:s8], $0x2710  }
0x12: {  	[sflag:s8] =	ssyncset.done $0x0  }
0x13: {  	s13 =	simm.s32 $0x0;
	s12 =	simm.s32 $0x40;
	[sflag:s8] =	ssyncadd.s32 $0xFFFFD8F0  }
.LBB2_2:
0x14: {  	p0 =	sne.s32 s12, $0x9C00;
	v1 =	vld [tilespmem:s13+$0x0];
	_ =	sdelay $0x3  }
.Ltmp0:
0x15: {  	(pc) =	sbr.rel @p0 .LBB2_2-.Ltmp0, $2  }
0x16: {  	_ =	sdelay $0x2  }
0x17: {  	s13 =	sshra.s32 s12, $0x2;
	s12 =	sadd.s32 $0x40, s12;
	[tilespmem:v1+s7+$0x0] =	vst.idx.add.f32.msk $0xffff, v0  }
0x18: {  	v1 =	vld [tilespmem:s13+$0x0];
	_ =	sdelay $0x5  }
0x19: {  	s11 =	sadd.s32 $0x1, s11  }
0x1a: {  	p0 =	sne.s32 s11, s6  }
.Ltmp1:
0x1b: {  	[tilespmem:v1+s7+$0x0] =	vst.idx.add.f32.msk $0xffff, v0;
	(pc) =	sbr.rel @p0 .LBB2_1-.Ltmp1, $4  }
0x1c: {  	[hbm4b:s5+s9] =	stream.strided.scatter [tilespmem:s7], [sflag:$0x1], $0x2780, s10, s9, $0x38;
	[tilespmem:$0x4F00] =	vst v63  }
0x1d: {  	_ =	swait.ge [sflag:s8], $0x2780  }
0x1e: {  	[sflag:s8] =	ssyncset.done $0x0  }
0x1f: {  	[sflag:s8] =	ssyncadd.s32 $0xFFFFD880  }
0x20: {  	_ =	sfence.sel $0x180000  }
0x21: {  	[bflag:$0x0] =	sbarrier.arrive $0xFFFF  }
0x22: {  	p0 =	sne.s32 s1, $0x0;
	_ =	strace $0x90000047  }
0x23: {  	s0 =	sadd.s32 @!p0 $0x100000, s0;
	[bflag:$0x2] =	sbarrier.arrive $0xFFFF  }
0x24: {  	[sflag:s0] =	ssyncadd.tile.s32 @!p0 $0x1;
	_ =	shalt  }
.Lfunc_end2:
_tile_overlayer_lowered:
.L_overlay_start_2:
0x25: {  	(tag) =	ssettag $0x2  }
0x26: {  	s0 =	rddreg [dreg:$0x0];
	s2 =	stileid.u32  }
0x27: {  	s1 =	rddreg [dreg:$0x1];
	p0 =	sne.s32 s2, $0x0  }
0x28: {  	s3 =	rddreg [dreg:$0x2];
	[bflag:$0x3] =	sbarrier.arrive $0xFFFF;
	s2 =	simm.s32 @!p0 $0x1C01  }
0x29: {  	[timem:s3], [sflag:s2] =	dma.local @!p0 [hbm:s0], s1  }
0x2a: {  	s0 =	simm.s32 @!p0 $0x1  }
0x2b: {  	_ =	swait.ge @!p0 [sflag:s0], s1  }
0x2c: {  	s1 =	ssub.s32 @!p0 $0x0, s1;
	[sflag:s0] =	ssyncset.done @!p0 $0x0  }
0x2d: {  	[sflag:s0] =	ssyncadd.s32 @!p0 s1  }
0x2e: {  	[bflag:$0x3] =	sbarrier.arrive $0xFFFF  }
0x2f: {  	_ =	shalt  }

</sc_bundles>
